<compile_context>
chip_gen: v7x
topology: tpu7x:2x2x1
jax: 0.10.2.dev20260603
libtpu: 0.0.44.dev20260713+nightly
codegen_flags: <defaults>
</compile_context>

<pallas_src>
import functools

import jax
import jax.numpy as jnp
from jax import lax
from jax.experimental import pallas as pl
from jax.experimental.pallas import tpu as pltpu
from jax.experimental.pallas import tpu_sc as plsc

_NC = 2
_NS = 16
_NW = _NC * _NS

_BATCH = 4096
_SEQ = 200
_DIM = 64
_CHUNKS = (104, 96)
_BPW = _BATCH // _NW
_LPR = _DIM // 16


def _sc_body(idx_hbm, emb_hbm, out_hbm, idx_v, buf_v, out_v, sem0, sem1):
    sems = (sem0, sem1)
    wid = lax.axis_index("s") * _NC + lax.axis_index("c")

    pltpu.sync_copy(idx_hbm.at[pl.ds(wid * _BPW, _BPW)], idx_v)

    def start_gathers(b, slot):
        off = 0
        for n in _CHUNKS:
            pltpu.async_copy(
                emb_hbm.at[idx_v.at[b, pl.ds(off, n)]],
                buf_v.at[slot, pl.ds(off, n)],
                sems[slot])
            off += n

    def drain(slot):
        pltpu.make_async_copy(emb_hbm.at[pl.ds(0, _SEQ)],
                              buf_v.at[slot], sems[slot]).wait()

    def accumulate(b, slot):
        buf = buf_v.at[slot]

        def rows(i, acc):
            for u in range(8):
                r = i * 8 + u
                acc = tuple(
                    acc[l] + buf[r, pl.ds(16 * l, 16)] for l in range(_LPR))
            return acc

        zero = jnp.zeros((16,), jnp.float32)
        acc = plsc.parallel_loop(0, _SEQ // 8, 1, unroll=2,
                                 carry=(zero,) * _LPR)(rows)
        for l in range(_LPR):
            out_v[b, pl.ds(16 * l, 16)] = acc[l] * (1.0 / _SEQ)

    start_gathers(0, 0)

    def loop_body(b0):
        for p in range(2):
            b = b0 + p

            @pl.when(b + 1 < _BPW)
            def _():
                start_gathers(b + 1, 1 - p)

            drain(p)
            accumulate(b, p)

    pl.loop(0, _BPW, step=2)(loop_body)

    pltpu.sync_copy(out_v, out_hbm.at[pl.ds(wid * _BPW, _BPW)])


@functools.partial(
    pl.kernel,
    out_type=jax.ShapeDtypeStruct((_BATCH, _DIM), jnp.float32),
    mesh=plsc.VectorSubcoreMesh(core_axis_name="c", subcore_axis_name="s"),
    scratch_types=[
        pltpu.VMEM((_BPW, _SEQ), jnp.int32),
        pltpu.VMEM((2, _SEQ, _DIM), jnp.float32),
        pltpu.VMEM((_BPW, _DIM), jnp.float32),
        pltpu.SemaphoreType.DMA,
        pltpu.SemaphoreType.DMA,
    ],
    compiler_params=pltpu.CompilerParams(use_tc_tiling_on_sc=False),
)
def _pooled_lookup(idx_hbm, emb_hbm, out_hbm, idx_v, buf_v, out_v, s0, s1):
    _sc_body(idx_hbm, emb_hbm, out_hbm, idx_v, buf_v, out_v, s0, s1)


@jax.jit
def kernel(text_tokens, emb):
    return _pooled_lookup(text_tokens.astype(jnp.int32), emb)

# --- scband reference (transcript-rebuilt; emitter-appended) ---
"""Pipeline reference for scband-text-encoder-3109556322652 (READ-ONLY COPY).

The authoritative reference and input builder live on the scoring server;
editing this copy changes nothing except your own understanding.
"""

import jax, jax.numpy as jnp
import numpy as np

VOCAB = 1000000
EMBED_DIM = 64
BATCH = 4096
SEQ = 200

def setup_inputs(seed: int = 0) -> dict:
    key = jax.random.key(seed)
    k_idx, k_emb = jax.random.split(key)
    text_tokens = jax.random.randint(k_idx, (BATCH, SEQ), 0, VOCAB, dtype=jnp.int64 if jax.config.jax_enable_x64 else jnp.int32)
    emb = jax.random.normal(k_emb, (VOCAB, EMBED_DIM), dtype=jnp.float32)
    return {"text_tokens": text_tokens, "emb": emb}

def reference(text_tokens, emb):
    # x = self.embedding(text_tokens)
    x = jnp.take(emb, text_tokens, axis=0)
    # x = x.mean(dim=1)
    x = jnp.mean(x, axis=1)
    return x

if __name__ == "__main__":
    import jax
    _d = setup_inputs()
    print(jax.jit(kernel)(*tuple(_d.values())))

</pallas_src>

<mosaic_0001>
#map = affine_map<(d0, d1) -> (0, 0)>
module attributes {stable_mosaic.version = 14 : i64} {
  func.func @_pooled_lookup(%arg0: i32, %arg1: i32, %arg2: memref<4096x200xi32, #tpu.memory_space<hbm>>, %arg3: memref<1000000x64xf32, #tpu.memory_space<hbm>>, %arg4: memref<4096x64xf32, #tpu.memory_space<hbm>>, %arg5: memref<128x200xi32, #tpu.memory_space<vmem>>, %arg6: memref<2x200x64xf32, #tpu.memory_space<vmem>>, %arg7: memref<128x64xf32, #tpu.memory_space<vmem>>, %arg8: memref<!tpu.dma_semaphore, #tpu.memory_space<semaphore_mem>>, %arg9: memref<!tpu.dma_semaphore, #tpu.memory_space<semaphore_mem>>) attributes {dimension_semantics = [#tpu.dimension_semantics<core_parallel>, #tpu.dimension_semantics<subcore_parallel>], iteration_bounds = array<i64: 2, 16>, scalar_prefetch = 0 : i64, scratch_operands = 5 : i64, tpu.core_type = #tpu.core_type<sc_vector_subcore>, window_params = [{transform_indices = #map}, {transform_indices = #map}, {transform_indices = #map}]} {
    %mul3A = arith.constant 2 : i32
    %mul3A_0 = arith.muli %arg1, %mul3A : i32
    %add3A = arith.addi %mul3A_0, %arg0 : i32
    %mul3A_1 = arith.constant 128 : i32
    %mul3A_2 = arith.muli %add3A, %mul3A_1 : i32
    "tpu.region"() ({
      %run_scoped3A = tpu.sem_alloc : memref<!tpu.dma_semaphore, #tpu.memory_space<semaphore_mem>>
      %dma_start3A_32 = arith.constant 0 : i32
      %dma_start3A_33 = tpu.memref_slice %arg2[%mul3A_2, %dma_start3A_32] : memref<4096x200xi32, #tpu.memory_space<hbm>> -> memref<128x200xi32, #tpu.memory_space<hbm>>
      %dma_start3A_34 = arith.constant 0 : i32
      %dma_start3A_35 = tpu.memref_slice %arg2[%mul3A_2, %dma_start3A_34] : memref<4096x200xi32, #tpu.memory_space<hbm>> -> memref<128x200xi32, #tpu.memory_space<hbm>>
      tpu.enqueue_dma source(%dma_start3A_35 : memref<128x200xi32, #tpu.memory_space<hbm>>) target(%arg5 : memref<128x200xi32, #tpu.memory_space<vmem>>) target_semaphore(%run_scoped3A : memref<!tpu.dma_semaphore, #tpu.memory_space<semaphore_mem>>)
      %dma_wait3A = arith.constant 0 : i32
      %dma_wait3A_36 = tpu.memref_slice %arg2[%mul3A_2, %dma_wait3A] : memref<4096x200xi32, #tpu.memory_space<hbm>> -> memref<128x200xi32, #tpu.memory_space<hbm>>
      %dma_wait3A_37 = arith.constant 0 : i32
      %dma_wait3A_38 = tpu.memref_slice %arg2[%mul3A_2, %dma_wait3A_37] : memref<4096x200xi32, #tpu.memory_space<hbm>> -> memref<128x200xi32, #tpu.memory_space<hbm>>
      tpu.wait_dma2 semaphore(%run_scoped3A : memref<!tpu.dma_semaphore, #tpu.memory_space<semaphore_mem>>) src(%dma_wait3A_38 : memref<128x200xi32, #tpu.memory_space<hbm>>) dst(%arg5 : memref<128x200xi32, #tpu.memory_space<vmem>>)
      tpu.yield
    }) : () -> ()
    %dma_start3A = arith.constant 0 : i32
    %dma_start3A_3 = arith.constant 0 : i32
    %dma_start3A_4 = arith.constant 0 : i32
    %dma_start3A_5 = arith.constant 0 : i32
    %dma_start3A_6 = tpu.memref_slice %arg6[%dma_start3A_3, %dma_start3A_4, %dma_start3A_5] : memref<2x200x64xf32, #tpu.memory_space<vmem>> -> memref<1x104x64xf32, #tpu.memory_space<vmem>>
    %dma_start3A_7 = tpu.memref_squeeze %dma_start3A_6 : memref<1x104x64xf32, #tpu.memory_space<vmem>> -> memref<104x64xf32, #tpu.memory_space<vmem>>
    %dma_start3A_8 = arith.constant 0 : i32
    %dma_start3A_9 = tpu.memref_slice %arg5[%dma_start3A, %dma_start3A_8] : memref<128x200xi32, #tpu.memory_space<vmem>> -> memref<1x104xi32, #tpu.memory_space<vmem>>
    %dma_start3A_10 = tpu.memref_squeeze %dma_start3A_9 : memref<1x104xi32, #tpu.memory_space<vmem>> -> memref<104xi32, #tpu.memory_space<vmem>>
    %dma_start3A_11 = arith.constant 0 : i32
    %dma_start3A_12 = arith.constant 0 : i32
    %dma_start3A_13 = tpu.memref_slice %arg3[%dma_start3A_11, %dma_start3A_12] : memref<1000000x64xf32, #tpu.memory_space<hbm>> -> memref<1000000x64xf32, #tpu.memory_space<hbm>>
    tpu.enqueue_indirect_dma source(%dma_start3A_13 : memref<1000000x64xf32, #tpu.memory_space<hbm>>) target(%dma_start3A_7 : memref<104x64xf32, #tpu.memory_space<vmem>>) offsets(%dma_start3A_10 : memref<104xi32, #tpu.memory_space<vmem>>) semaphore(%arg8 : memref<!tpu.dma_semaphore, #tpu.memory_space<semaphore_mem>>)
    %dma_start3A_14 = arith.constant 0 : i32
    %dma_start3A_15 = arith.constant 0 : i32
    %dma_start3A_16 = arith.constant 104 : i32
    %dma_start3A_17 = arith.constant 0 : i32
    %dma_start3A_18 = tpu.memref_slice %arg6[%dma_start3A_15, %dma_start3A_16, %dma_start3A_17] : memref<2x200x64xf32, #tpu.memory_space<vmem>> -> memref<1x96x64xf32, #tpu.memory_space<vmem>>
    %dma_start3A_19 = tpu.memref_squeeze %dma_start3A_18 : memref<1x96x64xf32, #tpu.memory_space<vmem>> -> memref<96x64xf32, #tpu.memory_space<vmem>>
    %dma_start3A_20 = arith.constant 104 : i32
    %dma_start3A_21 = tpu.memref_slice %arg5[%dma_start3A_14, %dma_start3A_20] : memref<128x200xi32, #tpu.memory_space<vmem>> -> memref<1x96xi32, #tpu.memory_space<vmem>>
    %dma_start3A_22 = tpu.memref_squeeze %dma_start3A_21 : memref<1x96xi32, #tpu.memory_space<vmem>> -> memref<96xi32, #tpu.memory_space<vmem>>
    %dma_start3A_23 = arith.constant 0 : i32
    %dma_start3A_24 = arith.constant 0 : i32
    %dma_start3A_25 = tpu.memref_slice %arg3[%dma_start3A_23, %dma_start3A_24] : memref<1000000x64xf32, #tpu.memory_space<hbm>> -> memref<1000000x64xf32, #tpu.memory_space<hbm>>
    tpu.enqueue_indirect_dma source(%dma_start3A_25 : memref<1000000x64xf32, #tpu.memory_space<hbm>>) target(%dma_start3A_19 : memref<96x64xf32, #tpu.memory_space<vmem>>) offsets(%dma_start3A_22 : memref<96xi32, #tpu.memory_space<vmem>>) semaphore(%arg8 : memref<!tpu.dma_semaphore, #tpu.memory_space<semaphore_mem>>)
    %scan3A = arith.constant 0 : i32
    %scan3A_26 = arith.constant 64 : i32
    %scan3A_27 = arith.addi %scan3A, %scan3A_26 : i32
    %scan3A_28 = arith.constant 1 : i32
    scf.for %scan3A_32 = %scan3A to %scan3A_27 step %scan3A_28  : i32 {
      %mul3A_33 = arith.constant 2 : i32
      %mul3A_34 = arith.muli %scan3A_32, %mul3A_33 : i32
      %add3A_35 = arith.constant 0 : i32
      %add3A_36 = arith.addi %add3A_35, %mul3A_34 : i32
      %add3A_37 = arith.constant 0 : i32
      %add3A_38 = arith.addi %add3A_36, %add3A_37 : i32
      %add3A_39 = arith.constant 1 : i32
      %add3A_40 = arith.addi %add3A_38, %add3A_39 : i32
      %lt3A = arith.constant 128 : i32
      %lt3A_41 = arith.cmpi slt, %add3A_40, %lt3A : i32
      %convert_element_type3A = arith.extui %lt3A_41 : i1 to i32
      %cond3A = arith.constant 0 : i32
      %cond3A_42 = arith.cmpi ne, %convert_element_type3A, %cond3A : i32
      scf.if %cond3A_42 {
        %add3A_156 = arith.constant 1 : i32
        %add3A_157 = arith.addi %add3A_38, %add3A_156 : i32
        %dma_start3A_158 = arith.constant 1 : i32
        %dma_start3A_159 = arith.constant 0 : i32
        %dma_start3A_160 = arith.constant 0 : i32
        %dma_start3A_161 = tpu.memref_slice %arg6[%dma_start3A_158, %dma_start3A_159, %dma_start3A_160] : memref<2x200x64xf32, #tpu.memory_space<vmem>> -> memref<1x104x64xf32, #tpu.memory_space<vmem>>
        %dma_start3A_162 = tpu.memref_squeeze %dma_start3A_161 : memref<1x104x64xf32, #tpu.memory_space<vmem>> -> memref<104x64xf32, #tpu.memory_space<vmem>>
        %dma_start3A_163 = arith.constant 0 : i32
        %dma_start3A_164 = tpu.memref_slice %arg5[%add3A_157, %dma_start3A_163] : memref<128x200xi32, #tpu.memory_space<vmem>> -> memref<1x104xi32, #tpu.memory_space<vmem>>
        %dma_start3A_165 = tpu.memref_squeeze %dma_start3A_164 : memref<1x104xi32, #tpu.memory_space<vmem>> -> memref<104xi32, #tpu.memory_space<vmem>>
        %dma_start3A_166 = arith.constant 0 : i32
        %dma_start3A_167 = arith.constant 0 : i32
        %dma_start3A_168 = tpu.memref_slice %arg3[%dma_start3A_166, %dma_start3A_167] : memref<1000000x64xf32, #tpu.memory_space<hbm>> -> memref<1000000x64xf32, #tpu.memory_space<hbm>>
        tpu.enqueue_indirect_dma source(%dma_start3A_168 : memref<1000000x64xf32, #tpu.memory_space<hbm>>) target(%dma_start3A_162 : memref<104x64xf32, #tpu.memory_space<vmem>>) offsets(%dma_start3A_165 : memref<104xi32, #tpu.memory_space<vmem>>) semaphore(%arg9 : memref<!tpu.dma_semaphore, #tpu.memory_space<semaphore_mem>>)
        %dma_start3A_169 = arith.constant 1 : i32
        %dma_start3A_170 = arith.constant 104 : i32
        %dma_start3A_171 = arith.constant 0 : i32
        %dma_start3A_172 = tpu.memref_slice %arg6[%dma_start3A_169, %dma_start3A_170, %dma_start3A_171] : memref<2x200x64xf32, #tpu.memory_space<vmem>> -> memref<1x96x64xf32, #tpu.memory_space<vmem>>
        %dma_start3A_173 = tpu.memref_squeeze %dma_start3A_172 : memref<1x96x64xf32, #tpu.memory_space<vmem>> -> memref<96x64xf32, #tpu.memory_space<vmem>>
        %dma_start3A_174 = arith.constant 104 : i32
        %dma_start3A_175 = tpu.memref_slice %arg5[%add3A_157, %dma_start3A_174] : memref<128x200xi32, #tpu.memory_space<vmem>> -> memref<1x96xi32, #tpu.memory_space<vmem>>
        %dma_start3A_176 = tpu.memref_squeeze %dma_start3A_175 : memref<1x96xi32, #tpu.memory_space<vmem>> -> memref<96xi32, #tpu.memory_space<vmem>>
        %dma_start3A_177 = arith.constant 0 : i32
        %dma_start3A_178 = arith.constant 0 : i32
        %dma_start3A_179 = tpu.memref_slice %arg3[%dma_start3A_177, %dma_start3A_178] : memref<1000000x64xf32, #tpu.memory_space<hbm>> -> memref<1000000x64xf32, #tpu.memory_space<hbm>>
        tpu.enqueue_indirect_dma source(%dma_start3A_179 : memref<1000000x64xf32, #tpu.memory_space<hbm>>) target(%dma_start3A_173 : memref<96x64xf32, #tpu.memory_space<vmem>>) offsets(%dma_start3A_176 : memref<96xi32, #tpu.memory_space<vmem>>) semaphore(%arg9 : memref<!tpu.dma_semaphore, #tpu.memory_space<semaphore_mem>>)
      } else {
      }
      %dma_wait3A = arith.constant 0 : i32
      %dma_wait3A_43 = arith.constant 0 : i32
      %dma_wait3A_44 = arith.constant 0 : i32
      %dma_wait3A_45 = tpu.memref_slice %arg6[%dma_wait3A, %dma_wait3A_43, %dma_wait3A_44] : memref<2x200x64xf32, #tpu.memory_space<vmem>> -> memref<1x200x64xf32, #tpu.memory_space<vmem>>
      %dma_wait3A_46 = tpu.memref_squeeze %dma_wait3A_45 : memref<1x200x64xf32, #tpu.memory_space<vmem>> -> memref<200x64xf32, #tpu.memory_space<vmem>>
      %dma_wait3A_47 = arith.constant 0 : i32
      %dma_wait3A_48 = arith.constant 0 : i32
      %dma_wait3A_49 = tpu.memref_slice %arg3[%dma_wait3A_47, %dma_wait3A_48] : memref<1000000x64xf32, #tpu.memory_space<hbm>> -> memref<200x64xf32, #tpu.memory_space<hbm>>
      %dma_wait3A_50 = arith.constant 0 : i32
      %dma_wait3A_51 = arith.constant 0 : i32
      %dma_wait3A_52 = tpu.memref_slice %arg6[%dma_wait3A, %dma_wait3A_50, %dma_wait3A_51] : memref<2x200x64xf32, #tpu.memory_space<vmem>> -> memref<1x200x64xf32, #tpu.memory_space<vmem>>
      %dma_wait3A_53 = tpu.memref_squeeze %dma_wait3A_52 : memref<1x200x64xf32, #tpu.memory_space<vmem>> -> memref<200x64xf32, #tpu.memory_space<vmem>>
      %dma_wait3A_54 = arith.constant 0 : i32
      %dma_wait3A_55 = arith.constant 0 : i32
      %dma_wait3A_56 = tpu.memref_slice %arg3[%dma_wait3A_54, %dma_wait3A_55] : memref<1000000x64xf32, #tpu.memory_space<hbm>> -> memref<200x64xf32, #tpu.memory_space<hbm>>
      tpu.wait_dma2 semaphore(%arg8 : memref<!tpu.dma_semaphore, #tpu.memory_space<semaphore_mem>>) src(%dma_wait3A_56 : memref<200x64xf32, #tpu.memory_space<hbm>>) dst(%dma_wait3A_53 : memref<200x64xf32, #tpu.memory_space<vmem>>)
      %broadcast_in_dim3A = arith.constant 0.000000e+00 : f32
      %broadcast_in_dim3A_57 = vector.broadcast %broadcast_in_dim3A : f32 to vector<16xf32>
      %parallel_loop3A = arith.constant 0 : i32
      %parallel_loop3A_58 = arith.constant 25 : i32
      %parallel_loop3A_59 = arith.constant 1 : i32
      %parallel_loop3A_60 = arith.constant 0 : i32
      %parallel_loop3A_61:4 = scf.for %parallel_loop3A_156 = %parallel_loop3A to %parallel_loop3A_58 step %parallel_loop3A_59 iter_args(%parallel_loop3A_157 = %broadcast_in_dim3A_57, %parallel_loop3A_158 = %broadcast_in_dim3A_57, %parallel_loop3A_159 = %broadcast_in_dim3A_57, %parallel_loop3A_160 = %broadcast_in_dim3A_57) -> (vector<16xf32>, vector<16xf32>, vector<16xf32>, vector<16xf32>)  : i32 {
        %parallel_loop3A_161 = arith.constant 8 : i32
        %parallel_loop3A_162 = arith.muli %parallel_loop3A_156, %parallel_loop3A_161 : i32
        %parallel_loop3A_163 = arith.constant 0 : i32
        %parallel_loop3A_164 = arith.addi %parallel_loop3A_162, %parallel_loop3A_163 : i32
        %parallel_loop3A_165 = arith.constant 0 : i32
        %parallel_loop3A_166 = arith.constant 0 : i32
        %parallel_loop3A_167 = tpu.memref_slice %arg6[%parallel_loop3A_60, %parallel_loop3A_165, %parallel_loop3A_166] : memref<2x200x64xf32, #tpu.memory_space<vmem>> -> memref<1x200x64xf32, #tpu.memory_space<vmem>>
        %parallel_loop3A_168 = tpu.memref_squeeze %parallel_loop3A_167 : memref<1x200x64xf32, #tpu.memory_space<vmem>> -> memref<200x64xf32, #tpu.memory_space<vmem>>
        %parallel_loop3A_169 = arith.index_cast %parallel_loop3A_164 : i32 to index
        %parallel_loop3A_170 = arith.constant 0 : index
        %parallel_loop3A_171 = tpu.vector_load %parallel_loop3A_168[%parallel_loop3A_169, %parallel_loop3A_170] {strides = array<i32>} : memref<200x64xf32, #tpu.memory_space<vmem>>, vector<1x16xf32>,
        %parallel_loop3A_172 = vector.shape_cast %parallel_loop3A_171 : vector<1x16xf32> to vector<16xf32>
        %parallel_loop3A_173 = arith.addf %parallel_loop3A_157, %parallel_loop3A_172 : vector<16xf32>
        %parallel_loop3A_174 = arith.constant 0 : i32
        %parallel_loop3A_175 = arith.constant 0 : i32
        %parallel_loop3A_176 = tpu.memref_slice %arg6[%parallel_loop3A_60, %parallel_loop3A_174, %parallel_loop3A_175] : memref<2x200x64xf32, #tpu.memory_space<vmem>> -> memref<1x200x64xf32, #tpu.memory_space<vmem>>
        %parallel_loop3A_177 = tpu.memref_squeeze %parallel_loop3A_176 : memref<1x200x64xf32, #tpu.memory_space<vmem>> -> memref<200x64xf32, #tpu.memory_space<vmem>>
        %parallel_loop3A_178 = arith.index_cast %parallel_loop3A_164 : i32 to index
        %parallel_loop3A_179 = arith.constant 16 : index
        %parallel_loop3A_180 = tpu.vector_load %parallel_loop3A_177[%parallel_loop3A_178, %parallel_loop3A_179] {strides = array<i32>} : memref<200x64xf32, #tpu.memory_space<vmem>>, vector<1x16xf32>,
        %parallel_loop3A_181 = vector.shape_cast %parallel_loop3A_180 : vector<1x16xf32> to vector<16xf32>
        %parallel_loop3A_182 = arith.addf %parallel_loop3A_158, %parallel_loop3A_181 : vector<16xf32>
        %parallel_loop3A_183 = arith.constant 0 : i32
        %parallel_loop3A_184 = arith.constant 0 : i32
        %parallel_loop3A_185 = tpu.memref_slice %arg6[%parallel_loop3A_60, %parallel_loop3A_183, %parallel_loop3A_184] : memref<2x200x64xf32, #tpu.memory_space<vmem>> -> memref<1x200x64xf32, #tpu.memory_space<vmem>>
        %parallel_loop3A_186 = tpu.memref_squeeze %parallel_loop3A_185 : memref<1x200x64xf32, #tpu.memory_space<vmem>> -> memref<200x64xf32, #tpu.memory_space<vmem>>
        %parallel_loop3A_187 = arith.index_cast %parallel_loop3A_164 : i32 to index
        %parallel_loop3A_188 = arith.constant 32 : index
        %parallel_loop3A_189 = tpu.vector_load %parallel_loop3A_186[%parallel_loop3A_187, %parallel_loop3A_188] {strides = array<i32>} : memref<200x64xf32, #tpu.memory_space<vmem>>, vector<1x16xf32>,
        %parallel_loop3A_190 = vector.shape_cast %parallel_loop3A_189 : vector<1x16xf32> to vector<16xf32>
        %parallel_loop3A_191 = arith.addf %parallel_loop3A_159, %parallel_loop3A_190 : vector<16xf32>
        %parallel_loop3A_192 = arith.constant 0 : i32
        %parallel_loop3A_193 = arith.constant 0 : i32
        %parallel_loop3A_194 = tpu.memref_slice %arg6[%parallel_loop3A_60, %parallel_loop3A_192, %parallel_loop3A_193] : memref<2x200x64xf32, #tpu.memory_space<vmem>> -> memref<1x200x64xf32, #tpu.memory_space<vmem>>
        %parallel_loop3A_195 = tpu.memref_squeeze %parallel_loop3A_194 : memref<1x200x64xf32, #tpu.memory_space<vmem>> -> memref<200x64xf32, #tpu.memory_space<vmem>>
        %parallel_loop3A_196 = arith.index_cast %parallel_loop3A_164 : i32 to index
        %parallel_loop3A_197 = arith.constant 48 : index
        %parallel_loop3A_198 = tpu.vector_load %parallel_loop3A_195[%parallel_loop3A_196, %parallel_loop3A_197] {strides = array<i32>} : memref<200x64xf32, #tpu.memory_space<vmem>>, vector<1x16xf32>,
        %parallel_loop3A_199 = vector.shape_cast %parallel_loop3A_198 : vector<1x16xf32> to vector<16xf32>
        %parallel_loop3A_200 = arith.addf %parallel_loop3A_160, %parallel_loop3A_199 : vector<16xf32>
        %parallel_loop3A_201 = arith.constant 8 : i32
        %parallel_loop3A_202 = arith.muli %parallel_loop3A_156, %parallel_loop3A_201 : i32
        %parallel_loop3A_203 = arith.constant 1 : i32
        %parallel_loop3A_204 = arith.addi %parallel_loop3A_202, %parallel_loop3A_203 : i32
        %parallel_loop3A_205 = arith.constant 0 : i32
        %parallel_loop3A_206 = arith.constant 0 : i32
        %parallel_loop3A_207 = tpu.memref_slice %arg6[%parallel_loop3A_60, %parallel_loop3A_205, %parallel_loop3A_206] : memref<2x200x64xf32, #tpu.memory_space<vmem>> -> memref<1x200x64xf32, #tpu.memory_space<vmem>>
        %parallel_loop3A_208 = tpu.memref_squeeze %parallel_loop3A_207 : memref<1x200x64xf32, #tpu.memory_space<vmem>> -> memref<200x64xf32, #tpu.memory_space<vmem>>
        %parallel_loop3A_209 = arith.index_cast %parallel_loop3A_204 : i32 to index
        %parallel_loop3A_210 = arith.constant 0 : index
        %parallel_loop3A_211 = tpu.vector_load %parallel_loop3A_208[%parallel_loop3A_209, %parallel_loop3A_210] {strides = array<i32>} : memref<200x64xf32, #tpu.memory_space<vmem>>, vector<1x16xf32>,
        %parallel_loop3A_212 = vector.shape_cast %parallel_loop3A_211 : vector<1x16xf32> to vector<16xf32>
        %parallel_loop3A_213 = arith.addf %parallel_loop3A_173, %parallel_loop3A_212 : vector<16xf32>
        %parallel_loop3A_214 = arith.constant 0 : i32
        %parallel_loop3A_215 = arith.constant 0 : i32
        %parallel_loop3A_216 = tpu.memref_slice %arg6[%parallel_loop3A_60, %parallel_loop3A_214, %parallel_loop3A_215] : memref<2x200x64xf32, #tpu.memory_space<vmem>> -> memref<1x200x64xf32, #tpu.memory_space<vmem>>
        %parallel_loop3A_217 = tpu.memref_squeeze %parallel_loop3A_216 : memref<1x200x64xf32, #tpu.memory_space<vmem>> -> memref<200x64xf32, #tpu.memory_space<vmem>>
        %parallel_loop3A_218 = arith.index_cast %parallel_loop3A_204 : i32 to index
        %parallel_loop3A_219 = arith.constant 16 : index
        %parallel_loop3A_220 = tpu.vector_load %parallel_loop3A_217[%parallel_loop3A_218, %parallel_loop3A_219] {strides = array<i32>} : memref<200x64xf32, #tpu.memory_space<vmem>>, vector<1x16xf32>,
        %parallel_loop3A_221 = vector.shape_cast %parallel_loop3A_220 : vector<1x16xf32> to vector<16xf32>
        %parallel_loop3A_222 = arith.addf %parallel_loop3A_182, %parallel_loop3A_221 : vector<16xf32>
        %parallel_loop3A_223 = arith.constant 0 : i32
        %parallel_loop3A_224 = arith.constant 0 : i32
        %parallel_loop3A_225 = tpu.memref_slice %arg6[%parallel_loop3A_60, %parallel_loop3A_223, %parallel_loop3A_224] : memref<2x200x64xf32, #tpu.memory_space<vmem>> -> memref<1x200x64xf32, #tpu.memory_space<vmem>>
        %parallel_loop3A_226 = tpu.memref_squeeze %parallel_loop3A_225 : memref<1x200x64xf32, #tpu.memory_space<vmem>> -> memref<200x64xf32, #tpu.memory_space<vmem>>
        %parallel_loop3A_227 = arith.index_cast %parallel_loop3A_204 : i32 to index
        %parallel_loop3A_228 = arith.constant 32 : index
        %parallel_loop3A_229 = tpu.vector_load %parallel_loop3A_226[%parallel_loop3A_227, %parallel_loop3A_228] {strides = array<i32>} : memref<200x64xf32, #tpu.memory_space<vmem>>, vector<1x16xf32>,
        %parallel_loop3A_230 = vector.shape_cast %parallel_loop3A_229 : vector<1x16xf32> to vector<16xf32>
        %parallel_loop3A_231 = arith.addf %parallel_loop3A_191, %parallel_loop3A_230 : vector<16xf32>
        %parallel_loop3A_232 = arith.constant 0 : i32
        %parallel_loop3A_233 = arith.constant 0 : i32
        %parallel_loop3A_234 = tpu.memref_slice %arg6[%parallel_loop3A_60, %parallel_loop3A_232, %parallel_loop3A_233] : memref<2x200x64xf32, #tpu.memory_space<vmem>> -> memref<1x200x64xf32, #tpu.memory_space<vmem>>
        %parallel_loop3A_235 = tpu.memref_squeeze %parallel_loop3A_234 : memref<1x200x64xf32, #tpu.memory_space<vmem>> -> memref<200x64xf32, #tpu.memory_space<vmem>>
        %parallel_loop3A_236 = arith.index_cast %parallel_loop3A_204 : i32 to index
        %parallel_loop3A_237 = arith.constant 48 : index
        %parallel_loop3A_238 = tpu.vector_load %parallel_loop3A_235[%parallel_loop3A_236, %parallel_loop3A_237] {strides = array<i32>} : memref<200x64xf32, #tpu.memory_space<vmem>>, vector<1x16xf32>,
        %parallel_loop3A_239 = vector.shape_cast %parallel_loop3A_238 : vector<1x16xf32> to vector<16xf32>
        %parallel_loop3A_240 = arith.addf %parallel_loop3A_200, %parallel_loop3A_239 : vector<16xf32>
        %parallel_loop3A_241 = arith.constant 8 : i32
        %parallel_loop3A_242 = arith.muli %parallel_loop3A_156, %parallel_loop3A_241 : i32
        %parallel_loop3A_243 = arith.constant 2 : i32
        %parallel_loop3A_244 = arith.addi %parallel_loop3A_242, %parallel_loop3A_243 : i32
        %parallel_loop3A_245 = arith.constant 0 : i32
        %parallel_loop3A_246 = arith.constant 0 : i32
        %parallel_loop3A_247 = tpu.memref_slice %arg6[%parallel_loop3A_60, %parallel_loop3A_245, %parallel_loop3A_246] : memref<2x200x64xf32, #tpu.memory_space<vmem>> -> memref<1x200x64xf32, #tpu.memory_space<vmem>>
        %parallel_loop3A_248 = tpu.memref_squeeze %parallel_loop3A_247 : memref<1x200x64xf32, #tpu.memory_space<vmem>> -> memref<200x64xf32, #tpu.memory_space<vmem>>
        %parallel_loop3A_249 = arith.index_cast %parallel_loop3A_244 : i32 to index
        %parallel_loop3A_250 = arith.constant 0 : index
        %parallel_loop3A_251 = tpu.vector_load %parallel_loop3A_248[%parallel_loop3A_249, %parallel_loop3A_250] {strides = array<i32>} : memref<200x64xf32, #tpu.memory_space<vmem>>, vector<1x16xf32>,
        %parallel_loop3A_252 = vector.shape_cast %parallel_loop3A_251 : vector<1x16xf32> to vector<16xf32>
        %parallel_loop3A_253 = arith.addf %parallel_loop3A_213, %parallel_loop3A_252 : vector<16xf32>
        %parallel_loop3A_254 = arith.constant 0 : i32
        %parallel_loop3A_255 = arith.constant 0 : i32
        %parallel_loop3A_256 = tpu.memref_slice %arg6[%parallel_loop3A_60, %parallel_loop3A_254, %parallel_loop3A_255] : memref<2x200x64xf32, #tpu.memory_space<vmem>> -> memref<1x200x64xf32, #tpu.memory_space<vmem>>
        %parallel_loop3A_257 = tpu.memref_squeeze %parallel_loop3A_256 : memref<1x200x64xf32, #tpu.memory_space<vmem>> -> memref<200x64xf32, #tpu.memory_space<vmem>>
        %parallel_loop3A_258 = arith.index_cast %parallel_loop3A_244 : i32 to index
        %parallel_loop3A_259 = arith.constant 16 : index
        %parallel_loop3A_260 = tpu.vector_load %parallel_loop3A_257[%parallel_loop3A_258, %parallel_loop3A_259] {strides = array<i32>} : memref<200x64xf32, #tpu.memory_space<vmem>>, vector<1x16xf32>,
        %parallel_loop3A_261 = vector.shape_cast %parallel_loop3A_260 : vector<1x16xf32> to vector<16xf32>
        %parallel_loop3A_262 = arith.addf %parallel_loop3A_222, %parallel_loop3A_261 : vector<16xf32>
        %parallel_loop3A_263 = arith.constant 0 : i32
        %parallel_loop3A_264 = arith.constant 0 : i32
        %parallel_loop3A_265 = tpu.memref_slice %arg6[%parallel_loop3A_60, %parallel_loop3A_263, %parallel_loop3A_264] : memref<2x200x64xf32, #tpu.memory_space<vmem>> -> memref<1x200x64xf32, #tpu.memory_space<vmem>>
        %parallel_loop3A_266 = tpu.memref_squeeze %parallel_loop3A_265 : memref<1x200x64xf32, #tpu.memory_space<vmem>> -> memref<200x64xf32, #tpu.memory_space<vmem>>
        %parallel_loop3A_267 = arith.index_cast %parallel_loop3A_244 : i32 to index
        %parallel_loop3A_268 = arith.constant 32 : index
        %parallel_loop3A_269 = tpu.vector_load %parallel_loop3A_266[%parallel_loop3A_267, %parallel_loop3A_268] {strides = array<i32>} : memref<200x64xf32, #tpu.memory_space<vmem>>, vector<1x16xf32>,
        %parallel_loop3A_270 = vector.shape_cast %parallel_loop3A_269 : vector<1x16xf32> to vector<16xf32>
        %parallel_loop3A_271 = arith.addf %parallel_loop3A_231, %parallel_loop3A_270 : vector<16xf32>
        %parallel_loop3A_272 = arith.constant 0 : i32
        %parallel_loop3A_273 = arith.constant 0 : i32
        %parallel_loop3A_274 = tpu.memref_slice %arg6[%parallel_loop3A_60, %parallel_loop3A_272, %parallel_loop3A_273] : memref<2x200x64xf32, #tpu.memory_space<vmem>> -> memref<1x200x64xf32, #tpu.memory_space<vmem>>
        %parallel_loop3A_275 = tpu.memref_squeeze %parallel_loop3A_274 : memref<1x200x64xf32, #tpu.memory_space<vmem>> -> memref<200x64xf32, #tpu.memory_space<vmem>>
        %parallel_loop3A_276 = arith.index_cast %parallel_loop3A_244 : i32 to index
        %parallel_loop3A_277 = arith.constant 48 : index
        %parallel_loop3A_278 = tpu.vector_load %parallel_loop3A_275[%parallel_loop3A_276, %parallel_loop3A_277] {strides = array<i32>} : memref<200x64xf32, #tpu.memory_space<vmem>>, vector<1x16xf32>,
        %parallel_loop3A_279 = vector.shape_cast %parallel_loop3A_278 : vector<1x16xf32> to vector<16xf32>
        %parallel_loop3A_280 = arith.addf %parallel_loop3A_240, %parallel_loop3A_279 : vector<16xf32>
        %parallel_loop3A_281 = arith.constant 8 : i32
        %parallel_loop3A_282 = arith.muli %parallel_loop3A_156, %parallel_loop3A_281 : i32
        %parallel_loop3A_283 = arith.constant 3 : i32
        %parallel_loop3A_284 = arith.addi %parallel_loop3A_282, %parallel_loop3A_283 : i32
        %parallel_loop3A_285 = arith.constant 0 : i32
        %parallel_loop3A_286 = arith.constant 0 : i32
        %parallel_loop3A_287 = tpu.memref_slice %arg6[%parallel_loop3A_60, %parallel_loop3A_285, %parallel_loop3A_286] : memref<2x200x64xf32, #tpu.memory_space<vmem>> -> memref<1x200x64xf32, #tpu.memory_space<vmem>>
        %parallel_loop3A_288 = tpu.memref_squeeze %parallel_loop3A_287 : memref<1x200x64xf32, #tpu.memory_space<vmem>> -> memref<200x64xf32, #tpu.memory_space<vmem>>
        %parallel_loop3A_289 = arith.index_cast %parallel_loop3A_284 : i32 to index
        %parallel_loop3A_290 = arith.constant 0 : index
        %parallel_loop3A_291 = tpu.vector_load %parallel_loop3A_288[%parallel_loop3A_289, %parallel_loop3A_290] {strides = array<i32>} : memref<200x64xf32, #tpu.memory_space<vmem>>, vector<1x16xf32>,
        %parallel_loop3A_292 = vector.shape_cast %parallel_loop3A_291 : vector<1x16xf32> to vector<16xf32>
        %parallel_loop3A_293 = arith.addf %parallel_loop3A_253, %parallel_loop3A_292 : vector<16xf32>
        %parallel_loop3A_294 = arith.constant 0 : i32
        %parallel_loop3A_295 = arith.constant 0 : i32
        %parallel_loop3A_296 = tpu.memref_slice %arg6[%parallel_loop3A_60, %parallel_loop3A_294, %parallel_loop3A_295] : memref<2x200x64xf32, #tpu.memory_space<vmem>> -> memref<1x200x64xf32, #tpu.memory_space<vmem>>
        %parallel_loop3A_297 = tpu.memref_squeeze %parallel_loop3A_296 : memref<1x200x64xf32, #tpu.memory_space<vmem>> -> memref<200x64xf32, #tpu.memory_space<vmem>>
        %parallel_loop3A_298 = arith.index_cast %parallel_loop3A_284 : i32 to index
        %parallel_loop3A_299 = arith.constant 16 : index
        %parallel_loop3A_300 = tpu.vector_load %parallel_loop3A_297[%parallel_loop3A_298, %parallel_loop3A_299] {strides = array<i32>} : memref<200x64xf32, #tpu.memory_space<vmem>>, vector<1x16xf32>,
        %parallel_loop3A_301 = vector.shape_cast %parallel_loop3A_300 : vector<1x16xf32> to vector<16xf32>
        %parallel_loop3A_302 = arith.addf %parallel_loop3A_262, %parallel_loop3A_301 : vector<16xf32>
        %parallel_loop3A_303 = arith.constant 0 : i32
        %parallel_loop3A_304 = arith.constant 0 : i32
        %parallel_loop3A_305 = tpu.memref_slice %arg6[%parallel_loop3A_60, %parallel_loop3A_303, %parallel_loop3A_304] : memref<2x200x64xf32, #tpu.memory_space<vmem>> -> memref<1x200x64xf32, #tpu.memory_space<vmem>>
        %parallel_loop3A_306 = tpu.memref_squeeze %parallel_loop3A_305 : memref<1x200x64xf32, #tpu.memory_space<vmem>> -> memref<200x64xf32, #tpu.memory_space<vmem>>
        %parallel_loop3A_307 = arith.index_cast %parallel_loop3A_284 : i32 to index
        %parallel_loop3A_308 = arith.constant 32 : index
        %parallel_loop3A_309 = tpu.vector_load %parallel_loop3A_306[%parallel_loop3A_307, %parallel_loop3A_308] {strides = array<i32>} : memref<200x64xf32, #tpu.memory_space<vmem>>, vector<1x16xf32>,
        %parallel_loop3A_310 = vector.shape_cast %parallel_loop3A_309 : vector<1x16xf32> to vector<16xf32>
        %parallel_loop3A_311 = arith.addf %parallel_loop3A_271, %parallel_loop3A_310 : vector<16xf32>
        %parallel_loop3A_312 = arith.constant 0 : i32
        %parallel_loop3A_313 = arith.constant 0 : i32
        %parallel_loop3A_314 = tpu.memref_slice %arg6[%parallel_loop3A_60, %parallel_loop3A_312, %parallel_loop3A_313] : memref<2x200x64xf32, #tpu.memory_space<vmem>> -> memref<1x200x64xf32, #tpu.memory_space<vmem>>
        %parallel_loop3A_315 = tpu.memref_squeeze %parallel_loop3A_314 : memref<1x200x64xf32, #tpu.memory_space<vmem>> -> memref<200x64xf32, #tpu.memory_space<vmem>>
        %parallel_loop3A_316 = arith.index_cast %parallel_loop3A_284 : i32 to index
        %parallel_loop3A_317 = arith.constant 48 : index
        %parallel_loop3A_318 = tpu.vector_load %parallel_loop3A_315[%parallel_loop3A_316, %parallel_loop3A_317] {strides = array<i32>} : memref<200x64xf32, #tpu.memory_space<vmem>>, vector<1x16xf32>,
        %parallel_loop3A_319 = vector.shape_cast %parallel_loop3A_318 : vector<1x16xf32> to vector<16xf32>
        %parallel_loop3A_320 = arith.addf %parallel_loop3A_280, %parallel_loop3A_319 : vector<16xf32>
        %parallel_loop3A_321 = arith.constant 8 : i32
        %parallel_loop3A_322 = arith.muli %parallel_loop3A_156, %parallel_loop3A_321 : i32
        %parallel_loop3A_323 = arith.constant 4 : i32
        %parallel_loop3A_324 = arith.addi %parallel_loop3A_322, %parallel_loop3A_323 : i32
        %parallel_loop3A_325 = arith.constant 0 : i32
        %parallel_loop3A_326 = arith.constant 0 : i32
        %parallel_loop3A_327 = tpu.memref_slice %arg6[%parallel_loop3A_60, %parallel_loop3A_325, %parallel_loop3A_326] : memref<2x200x64xf32, #tpu.memory_space<vmem>> -> memref<1x200x64xf32, #tpu.memory_space<vmem>>
        %parallel_loop3A_328 = tpu.memref_squeeze %parallel_loop3A_327 : memref<1x200x64xf32, #tpu.memory_space<vmem>> -> memref<200x64xf32, #tpu.memory_space<vmem>>
        %parallel_loop3A_329 = arith.index_cast %parallel_loop3A_324 : i32 to index
        %parallel_loop3A_330 = arith.constant 0 : index
        %parallel_loop3A_331 = tpu.vector_load %parallel_loop3A_328[%parallel_loop3A_329, %parallel_loop3A_330] {strides = array<i32>} : memref<200x64xf32, #tpu.memory_space<vmem>>, vector<1x16xf32>,
        %parallel_loop3A_332 = vector.shape_cast %parallel_loop3A_331 : vector<1x16xf32> to vector<16xf32>
        %parallel_loop3A_333 = arith.addf %parallel_loop3A_293, %parallel_loop3A_332 : vector<16xf32>
        %parallel_loop3A_334 = arith.constant 0 : i32
        %parallel_loop3A_335 = arith.constant 0 : i32
        %parallel_loop3A_336 = tpu.memref_slice %arg6[%parallel_loop3A_60, %parallel_loop3A_334, %parallel_loop3A_335] : memref<2x200x64xf32, #tpu.memory_space<vmem>> -> memref<1x200x64xf32, #tpu.memory_space<vmem>>
        %parallel_loop3A_337 = tpu.memref_squeeze %parallel_loop3A_336 : memref<1x200x64xf32, #tpu.memory_space<vmem>> -> memref<200x64xf32, #tpu.memory_space<vmem>>
        %parallel_loop3A_338 = arith.index_cast %parallel_loop3A_324 : i32 to index
        %parallel_loop3A_339 = arith.constant 16 : index
        %parallel_loop3A_340 = tpu.vector_load %parallel_loop3A_337[%parallel_loop3A_338, %parallel_loop3A_339] {strides = array<i32>} : memref<200x64xf32, #tpu.memory_space<vmem>>, vector<1x16xf32>,
        %parallel_loop3A_341 = vector.shape_cast %parallel_loop3A_340 : vector<1x16xf32> to vector<16xf32>
        %parallel_loop3A_342 = arith.addf %parallel_loop3A_302, %parallel_loop3A_341 : vector<16xf32>
        %parallel_loop3A_343 = arith.constant 0 : i32
        %parallel_loop3A_344 = arith.constant 0 : i32
        %parallel_loop3A_345 = tpu.memref_slice %arg6[%parallel_loop3A_60, %parallel_loop3A_343, %parallel_loop3A_344] : memref<2x200x64xf32, #tpu.memory_space<vmem>> -> memref<1x200x64xf32, #tpu.memory_space<vmem>>
        %parallel_loop3A_346 = tpu.memref_squeeze %parallel_loop3A_345 : memref<1x200x64xf32, #tpu.memory_space<vmem>> -> memref<200x64xf32, #tpu.memory_space<vmem>>
        %parallel_loop3A_347 = arith.index_cast %parallel_loop3A_324 : i32 to index
        %parallel_loop3A_348 = arith.constant 32 : index
        %parallel_loop3A_349 = tpu.vector_load %parallel_loop3A_346[%parallel_loop3A_347, %parallel_loop3A_348] {strides = array<i32>} : memref<200x64xf32, #tpu.memory_space<vmem>>, vector<1x16xf32>,
        %parallel_loop3A_350 = vector.shape_cast %parallel_loop3A_349 : vector<1x16xf32> to vector<16xf32>
        %parallel_loop3A_351 = arith.addf %parallel_loop3A_311, %parallel_loop3A_350 : vector<16xf32>
        %parallel_loop3A_352 = arith.constant 0 : i32
        %parallel_loop3A_353 = arith.constant 0 : i32
        %parallel_loop3A_354 = tpu.memref_slice %arg6[%parallel_loop3A_60, %parallel_loop3A_352, %parallel_loop3A_353] : memref<2x200x64xf32, #tpu.memory_space<vmem>> -> memref<1x200x64xf32, #tpu.memory_space<vmem>>
        %parallel_loop3A_355 = tpu.memref_squeeze %parallel_loop3A_354 : memref<1x200x64xf32, #tpu.memory_space<vmem>> -> memref<200x64xf32, #tpu.memory_space<vmem>>
        %parallel_loop3A_356 = arith.index_cast %parallel_loop3A_324 : i32 to index
        %parallel_loop3A_357 = arith.constant 48 : index
        %parallel_loop3A_358 = tpu.vector_load %parallel_loop3A_355[%parallel_loop3A_356, %parallel_loop3A_357] {strides = array<i32>} : memref<200x64xf32, #tpu.memory_space<vmem>>, vector<1x16xf32>,
        %parallel_loop3A_359 = vector.shape_cast %parallel_loop3A_358 : vector<1x16xf32> to vector<16xf32>
        %parallel_loop3A_360 = arith.addf %parallel_loop3A_320, %parallel_loop3A_359 : vector<16xf32>
        %parallel_loop3A_361 = arith.constant 8 : i32
        %parallel_loop3A_362 = arith.muli %parallel_loop3A_156, %parallel_loop3A_361 : i32
        %parallel_loop3A_363 = arith.constant 5 : i32
        %parallel_loop3A_364 = arith.addi %parallel_loop3A_362, %parallel_loop3A_363 : i32
        %parallel_loop3A_365 = arith.constant 0 : i32
        %parallel_loop3A_366 = arith.constant 0 : i32
        %parallel_loop3A_367 = tpu.memref_slice %arg6[%parallel_loop3A_60, %parallel_loop3A_365, %parallel_loop3A_366] : memref<2x200x64xf32, #tpu.memory_space<vmem>> -> memref<1x200x64xf32, #tpu.memory_space<vmem>>
        %parallel_loop3A_368 = tpu.memref_squeeze %parallel_loop3A_367 : memref<1x200x64xf32, #tpu.memory_space<vmem>> -> memref<200x64xf32, #tpu.memory_space<vmem>>
        %parallel_loop3A_369 = arith.index_cast %parallel_loop3A_364 : i32 to index
        %parallel_loop3A_370 = arith.constant 0 : index
        %parallel_loop3A_371 = tpu.vector_load %parallel_loop3A_368[%parallel_loop3A_369, %parallel_loop3A_370] {strides = array<i32>} : memref<200x64xf32, #tpu.memory_space<vmem>>, vector<1x16xf32>,
        %parallel_loop3A_372 = vector.shape_cast %parallel_loop3A_371 : vector<1x16xf32> to vector<16xf32>
        %parallel_loop3A_373 = arith.addf %parallel_loop3A_333, %parallel_loop3A_372 : vector<16xf32>
        %parallel_loop3A_374 = arith.constant 0 : i32
        %parallel_loop3A_375 = arith.constant 0 : i32
        %parallel_loop3A_376 = tpu.memref_slice %arg6[%parallel_loop3A_60, %parallel_loop3A_374, %parallel_loop3A_375] : memref<2x200x64xf32, #tpu.memory_space<vmem>> -> memref<1x200x64xf32, #tpu.memory_space<vmem>>
        %parallel_loop3A_377 = tpu.memref_squeeze %parallel_loop3A_376 : memref<1x200x64xf32, #tpu.memory_space<vmem>> -> memref<200x64xf32, #tpu.memory_space<vmem>>
        %parallel_loop3A_378 = arith.index_cast %parallel_loop3A_364 : i32 to index
        %parallel_loop3A_379 = arith.constant 16 : index
        %parallel_loop3A_380 = tpu.vector_load %parallel_loop3A_377[%parallel_loop3A_378, %parallel_loop3A_379] {strides = array<i32>} : memref<200x64xf32, #tpu.memory_space<vmem>>, vector<1x16xf32>,
        %parallel_loop3A_381 = vector.shape_cast %parallel_loop3A_380 : vector<1x16xf32> to vector<16xf32>
        %parallel_loop3A_382 = arith.addf %parallel_loop3A_342, %parallel_loop3A_381 : vector<16xf32>
        %parallel_loop3A_383 = arith.constant 0 : i32
        %parallel_loop3A_384 = arith.constant 0 : i32
        %parallel_loop3A_385 = tpu.memref_slice %arg6[%parallel_loop3A_60, %parallel_loop3A_383, %parallel_loop3A_384] : memref<2x200x64xf32, #tpu.memory_space<vmem>> -> memref<1x200x64xf32, #tpu.memory_space<vmem>>
        %parallel_loop3A_386 = tpu.memref_squeeze %parallel_loop3A_385 : memref<1x200x64xf32, #tpu.memory_space<vmem>> -> memref<200x64xf32, #tpu.memory_space<vmem>>
        %parallel_loop3A_387 = arith.index_cast %parallel_loop3A_364 : i32 to index
        %parallel_loop3A_388 = arith.constant 32 : index
        %parallel_loop3A_389 = tpu.vector_load %parallel_loop3A_386[%parallel_loop3A_387, %parallel_loop3A_388] {strides = array<i32>} : memref<200x64xf32, #tpu.memory_space<vmem>>, vector<1x16xf32>,
        %parallel_loop3A_390 = vector.shape_cast %parallel_loop3A_389 : vector<1x16xf32> to vector<16xf32>
        %parallel_loop3A_391 = arith.addf %parallel_loop3A_351, %parallel_loop3A_390 : vector<16xf32>
        %parallel_loop3A_392 = arith.constant 0 : i32
        %parallel_loop3A_393 = arith.constant 0 : i32
        %parallel_loop3A_394 = tpu.memref_slice %arg6[%parallel_loop3A_60, %parallel_loop3A_392, %parallel_loop3A_393] : memref<2x200x64xf32, #tpu.memory_space<vmem>> -> memref<1x200x64xf32, #tpu.memory_space<vmem>>
        %parallel_loop3A_395 = tpu.memref_squeeze %parallel_loop3A_394 : memref<1x200x64xf32, #tpu.memory_space<vmem>> -> memref<200x64xf32, #tpu.memory_space<vmem>>
        %parallel_loop3A_396 = arith.index_cast %parallel_loop3A_364 : i32 to index
        %parallel_loop3A_397 = arith.constant 48 : index
        %parallel_loop3A_398 = tpu.vector_load %parallel_loop3A_395[%parallel_loop3A_396, %parallel_loop3A_397] {strides = array<i32>} : memref<200x64xf32, #tpu.memory_space<vmem>>, vector<1x16xf32>,
        %parallel_loop3A_399 = vector.shape_cast %parallel_loop3A_398 : vector<1x16xf32> to vector<16xf32>
        %parallel_loop3A_400 = arith.addf %parallel_loop3A_360, %parallel_loop3A_399 : vector<16xf32>
        %parallel_loop3A_401 = arith.constant 8 : i32
        %parallel_loop3A_402 = arith.muli %parallel_loop3A_156, %parallel_loop3A_401 : i32
        %parallel_loop3A_403 = arith.constant 6 : i32
        %parallel_loop3A_404 = arith.addi %parallel_loop3A_402, %parallel_loop3A_403 : i32
        %parallel_loop3A_405 = arith.constant 0 : i32
        %parallel_loop3A_406 = arith.constant 0 : i32
        %parallel_loop3A_407 = tpu.memref_slice %arg6[%parallel_loop3A_60, %parallel_loop3A_405, %parallel_loop3A_406] : memref<2x200x64xf32, #tpu.memory_space<vmem>> -> memref<1x200x64xf32, #tpu.memory_space<vmem>>
        %parallel_loop3A_408 = tpu.memref_squeeze %parallel_loop3A_407 : memref<1x200x64xf32, #tpu.memory_space<vmem>> -> memref<200x64xf32, #tpu.memory_space<vmem>>
        %parallel_loop3A_409 = arith.index_cast %parallel_loop3A_404 : i32 to index
        %parallel_loop3A_410 = arith.constant 0 : index
        %parallel_loop3A_411 = tpu.vector_load %parallel_loop3A_408[%parallel_loop3A_409, %parallel_loop3A_410] {strides = array<i32>} : memref<200x64xf32, #tpu.memory_space<vmem>>, vector<1x16xf32>,
        %parallel_loop3A_412 = vector.shape_cast %parallel_loop3A_411 : vector<1x16xf32> to vector<16xf32>
        %parallel_loop3A_413 = arith.addf %parallel_loop3A_373, %parallel_loop3A_412 : vector<16xf32>
        %parallel_loop3A_414 = arith.constant 0 : i32
        %parallel_loop3A_415 = arith.constant 0 : i32
        %parallel_loop3A_416 = tpu.memref_slice %arg6[%parallel_loop3A_60, %parallel_loop3A_414, %parallel_loop3A_415] : memref<2x200x64xf32, #tpu.memory_space<vmem>> -> memref<1x200x64xf32, #tpu.memory_space<vmem>>
        %parallel_loop3A_417 = tpu.memref_squeeze %parallel_loop3A_416 : memref<1x200x64xf32, #tpu.memory_space<vmem>> -> memref<200x64xf32, #tpu.memory_space<vmem>>
        %parallel_loop3A_418 = arith.index_cast %parallel_loop3A_404 : i32 to index
        %parallel_loop3A_419 = arith.constant 16 : index
        %parallel_loop3A_420 = tpu.vector_load %parallel_loop3A_417[%parallel_loop3A_418, %parallel_loop3A_419] {strides = array<i32>} : memref<200x64xf32, #tpu.memory_space<vmem>>, vector<1x16xf32>,
        %parallel_loop3A_421 = vector.shape_cast %parallel_loop3A_420 : vector<1x16xf32> to vector<16xf32>
        %parallel_loop3A_422 = arith.addf %parallel_loop3A_382, %parallel_loop3A_421 : vector<16xf32>
        %parallel_loop3A_423 = arith.constant 0 : i32
        %parallel_loop3A_424 = arith.constant 0 : i32
        %parallel_loop3A_425 = tpu.memref_slice %arg6[%parallel_loop3A_60, %parallel_loop3A_423, %parallel_loop3A_424] : memref<2x200x64xf32, #tpu.memory_space<vmem>> -> memref<1x200x64xf32, #tpu.memory_space<vmem>>
        %parallel_loop3A_426 = tpu.memref_squeeze %parallel_loop3A_425 : memref<1x200x64xf32, #tpu.memory_space<vmem>> -> memref<200x64xf32, #tpu.memory_space<vmem>>
        %parallel_loop3A_427 = arith.index_cast %parallel_loop3A_404 : i32 to index
        %parallel_loop3A_428 = arith.constant 32 : index
        %parallel_loop3A_429 = tpu.vector_load %parallel_loop3A_426[%parallel_loop3A_427, %parallel_loop3A_428] {strides = array<i32>} : memref<200x64xf32, #tpu.memory_space<vmem>>, vector<1x16xf32>,
        %parallel_loop3A_430 = vector.shape_cast %parallel_loop3A_429 : vector<1x16xf32> to vector<16xf32>
        %parallel_loop3A_431 = arith.addf %parallel_loop3A_391, %parallel_loop3A_430 : vector<16xf32>
        %parallel_loop3A_432 = arith.constant 0 : i32
        %parallel_loop3A_433 = arith.constant 0 : i32
        %parallel_loop3A_434 = tpu.memref_slice %arg6[%parallel_loop3A_60, %parallel_loop3A_432, %parallel_loop3A_433] : memref<2x200x64xf32, #tpu.memory_space<vmem>> -> memref<1x200x64xf32, #tpu.memory_space<vmem>>
        %parallel_loop3A_435 = tpu.memref_squeeze %parallel_loop3A_434 : memref<1x200x64xf32, #tpu.memory_space<vmem>> -> memref<200x64xf32, #tpu.memory_space<vmem>>
        %parallel_loop3A_436 = arith.index_cast %parallel_loop3A_404 : i32 to index
        %parallel_loop3A_437 = arith.constant 48 : index
        %parallel_loop3A_438 = tpu.vector_load %parallel_loop3A_435[%parallel_loop3A_436, %parallel_loop3A_437] {strides = array<i32>} : memref<200x64xf32, #tpu.memory_space<vmem>>, vector<1x16xf32>,
        %parallel_loop3A_439 = vector.shape_cast %parallel_loop3A_438 : vector<1x16xf32> to vector<16xf32>
        %parallel_loop3A_440 = arith.addf %parallel_loop3A_400, %parallel_loop3A_439 : vector<16xf32>
        %parallel_loop3A_441 = arith.constant 8 : i32
        %parallel_loop3A_442 = arith.muli %parallel_loop3A_156, %parallel_loop3A_441 : i32
        %parallel_loop3A_443 = arith.constant 7 : i32
        %parallel_loop3A_444 = arith.addi %parallel_loop3A_442, %parallel_loop3A_443 : i32
        %parallel_loop3A_445 = arith.constant 0 : i32
        %parallel_loop3A_446 = arith.constant 0 : i32
        %parallel_loop3A_447 = tpu.memref_slice %arg6[%parallel_loop3A_60, %parallel_loop3A_445, %parallel_loop3A_446] : memref<2x200x64xf32, #tpu.memory_space<vmem>> -> memref<1x200x64xf32, #tpu.memory_space<vmem>>
        %parallel_loop3A_448 = tpu.memref_squeeze %parallel_loop3A_447 : memref<1x200x64xf32, #tpu.memory_space<vmem>> -> memref<200x64xf32, #tpu.memory_space<vmem>>
        %parallel_loop3A_449 = arith.index_cast %parallel_loop3A_444 : i32 to index
        %parallel_loop3A_450 = arith.constant 0 : index
        %parallel_loop3A_451 = tpu.vector_load %parallel_loop3A_448[%parallel_loop3A_449, %parallel_loop3A_450] {strides = array<i32>} : memref<200x64xf32, #tpu.memory_space<vmem>>, vector<1x16xf32>,
        %parallel_loop3A_452 = vector.shape_cast %parallel_loop3A_451 : vector<1x16xf32> to vector<16xf32>
        %parallel_loop3A_453 = arith.addf %parallel_loop3A_413, %parallel_loop3A_452 : vector<16xf32>
        %parallel_loop3A_454 = arith.constant 0 : i32
        %parallel_loop3A_455 = arith.constant 0 : i32
        %parallel_loop3A_456 = tpu.memref_slice %arg6[%parallel_loop3A_60, %parallel_loop3A_454, %parallel_loop3A_455] : memref<2x200x64xf32, #tpu.memory_space<vmem>> -> memref<1x200x64xf32, #tpu.memory_space<vmem>>
        %parallel_loop3A_457 = tpu.memref_squeeze %parallel_loop3A_456 : memref<1x200x64xf32, #tpu.memory_space<vmem>> -> memref<200x64xf32, #tpu.memory_space<vmem>>
        %parallel_loop3A_458 = arith.index_cast %parallel_loop3A_444 : i32 to index
        %parallel_loop3A_459 = arith.constant 16 : index
        %parallel_loop3A_460 = tpu.vector_load %parallel_loop3A_457[%parallel_loop3A_458, %parallel_loop3A_459] {strides = array<i32>} : memref<200x64xf32, #tpu.memory_space<vmem>>, vector<1x16xf32>,
        %parallel_loop3A_461 = vector.shape_cast %parallel_loop3A_460 : vector<1x16xf32> to vector<16xf32>
        %parallel_loop3A_462 = arith.addf %parallel_loop3A_422, %parallel_loop3A_461 : vector<16xf32>
        %parallel_loop3A_463 = arith.constant 0 : i32
        %parallel_loop3A_464 = arith.constant 0 : i32
        %parallel_loop3A_465 = tpu.memref_slice %arg6[%parallel_loop3A_60, %parallel_loop3A_463, %parallel_loop3A_464] : memref<2x200x64xf32, #tpu.memory_space<vmem>> -> memref<1x200x64xf32, #tpu.memory_space<vmem>>
        %parallel_loop3A_466 = tpu.memref_squeeze %parallel_loop3A_465 : memref<1x200x64xf32, #tpu.memory_space<vmem>> -> memref<200x64xf32, #tpu.memory_space<vmem>>
        %parallel_loop3A_467 = arith.index_cast %parallel_loop3A_444 : i32 to index
        %parallel_loop3A_468 = arith.constant 32 : index
        %parallel_loop3A_469 = tpu.vector_load %parallel_loop3A_466[%parallel_loop3A_467, %parallel_loop3A_468] {strides = array<i32>} : memref<200x64xf32, #tpu.memory_space<vmem>>, vector<1x16xf32>,
        %parallel_loop3A_470 = vector.shape_cast %parallel_loop3A_469 : vector<1x16xf32> to vector<16xf32>
        %parallel_loop3A_471 = arith.addf %parallel_loop3A_431, %parallel_loop3A_470 : vector<16xf32>
        %parallel_loop3A_472 = arith.constant 0 : i32
        %parallel_loop3A_473 = arith.constant 0 : i32
        %parallel_loop3A_474 = tpu.memref_slice %arg6[%parallel_loop3A_60, %parallel_loop3A_472, %parallel_loop3A_473] : memref<2x200x64xf32, #tpu.memory_space<vmem>> -> memref<1x200x64xf32, #tpu.memory_space<vmem>>
        %parallel_loop3A_475 = tpu.memref_squeeze %parallel_loop3A_474 : memref<1x200x64xf32, #tpu.memory_space<vmem>> -> memref<200x64xf32, #tpu.memory_space<vmem>>
        %parallel_loop3A_476 = arith.index_cast %parallel_loop3A_444 : i32 to index
        %parallel_loop3A_477 = arith.constant 48 : index
        %parallel_loop3A_478 = tpu.vector_load %parallel_loop3A_475[%parallel_loop3A_476, %parallel_loop3A_477] {strides = array<i32>} : memref<200x64xf32, #tpu.memory_space<vmem>>, vector<1x16xf32>,
        %parallel_loop3A_479 = vector.shape_cast %parallel_loop3A_478 : vector<1x16xf32> to vector<16xf32>
        %parallel_loop3A_480 = arith.addf %parallel_loop3A_440, %parallel_loop3A_479 : vector<16xf32>
        scf.yield %parallel_loop3A_453, %parallel_loop3A_462, %parallel_loop3A_471, %parallel_loop3A_480 : vector<16xf32>, vector<16xf32>, vector<16xf32>, vector<16xf32>
      } {sc.loop_unroll_factor = 2 : i64, sc.parallel_access}
      %mul3A_62 = arith.constant 5.000000e-03 : f32
      %mul3A_63 = vector.broadcast %mul3A_62 : f32 to vector<16xf32>
      %mul3A_64 = arith.mulf %parallel_loop3A_61#0, %mul3A_63 : vector<16xf32>
      %swap3A = arith.index_cast %add3A_38 : i32 to index
      %swap3A_65 = arith.constant 0 : index
      %swap3A_66 = tpu.vector_load %arg7[%swap3A, %swap3A_65] {strides = array<i32>} : memref<128x64xf32, #tpu.memory_space<vmem>>, vector<1x16xf32>,
      %swap3A_67 = vector.shape_cast %swap3A_66 : vector<1x16xf32> to vector<16xf32>
      %swap3A_68 = vector.shape_cast %mul3A_64 : vector<16xf32> to vector<1x16xf32>
      tpu.vector_store %arg7[%swap3A, %swap3A_65], %swap3A_68 {strides = array<i32>} : memref<128x64xf32, #tpu.memory_space<vmem>>, vector<1x16xf32>,
      %mul3A_69 = arith.constant 5.000000e-03 : f32
      %mul3A_70 = vector.broadcast %mul3A_69 : f32 to vector<16xf32>
      %mul3A_71 = arith.mulf %parallel_loop3A_61#1, %mul3A_70 : vector<16xf32>
      %swap3A_72 = arith.index_cast %add3A_38 : i32 to index
      %swap3A_73 = arith.constant 16 : index
      %swap3A_74 = tpu.vector_load %arg7[%swap3A_72, %swap3A_73] {strides = array<i32>} : memref<128x64xf32, #tpu.memory_space<vmem>>, vector<1x16xf32>,
      %swap3A_75 = vector.shape_cast %swap3A_74 : vector<1x16xf32> to vector<16xf32>
      %swap3A_76 = vector.shape_cast %mul3A_71 : vector<16xf32> to vector<1x16xf32>
      tpu.vector_store %arg7[%swap3A_72, %swap3A_73], %swap3A_76 {strides = array<i32>} : memref<128x64xf32, #tpu.memory_space<vmem>>, vector<1x16xf32>,
      %mul3A_77 = arith.constant 5.000000e-03 : f32
      %mul3A_78 = vector.broadcast %mul3A_77 : f32 to vector<16xf32>
      %mul3A_79 = arith.mulf %parallel_loop3A_61#2, %mul3A_78 : vector<16xf32>
      %swap3A_80 = arith.index_cast %add3A_38 : i32 to index
      %swap3A_81 = arith.constant 32 : index
      %swap3A_82 = tpu.vector_load %arg7[%swap3A_80, %swap3A_81] {strides = array<i32>} : memref<128x64xf32, #tpu.memory_space<vmem>>, vector<1x16xf32>,
      %swap3A_83 = vector.shape_cast %swap3A_82 : vector<1x16xf32> to vector<16xf32>
      %swap3A_84 = vector.shape_cast %mul3A_79 : vector<16xf32> to vector<1x16xf32>
      tpu.vector_store %arg7[%swap3A_80, %swap3A_81], %swap3A_84 {strides = array<i32>} : memref<128x64xf32, #tpu.memory_space<vmem>>, vector<1x16xf32>,
      %mul3A_85 = arith.constant 5.000000e-03 : f32
      %mul3A_86 = vector.broadcast %mul3A_85 : f32 to vector<16xf32>
      %mul3A_87 = arith.mulf %parallel_loop3A_61#3, %mul3A_86 : vector<16xf32>
      %swap3A_88 = arith.index_cast %add3A_38 : i32 to index
      %swap3A_89 = arith.constant 48 : index
      %swap3A_90 = tpu.vector_load %arg7[%swap3A_88, %swap3A_89] {strides = array<i32>} : memref<128x64xf32, #tpu.memory_space<vmem>>, vector<1x16xf32>,
      %swap3A_91 = vector.shape_cast %swap3A_90 : vector<1x16xf32> to vector<16xf32>
      %swap3A_92 = vector.shape_cast %mul3A_87 : vector<16xf32> to vector<1x16xf32>
      tpu.vector_store %arg7[%swap3A_88, %swap3A_89], %swap3A_92 {strides = array<i32>} : memref<128x64xf32, #tpu.memory_space<vmem>>, vector<1x16xf32>,
      %add3A_93 = arith.constant 1 : i32
      %add3A_94 = arith.addi %add3A_36, %add3A_93 : i32
      %add3A_95 = arith.constant 1 : i32
      %add3A_96 = arith.addi %add3A_94, %add3A_95 : i32
      %lt3A_97 = arith.constant 128 : i32
      %lt3A_98 = arith.cmpi slt, %add3A_96, %lt3A_97 : i32
      %convert_element_type3A_99 = arith.extui %lt3A_98 : i1 to i32
      %cond3A_100 = arith.constant 0 : i32
      %cond3A_101 = arith.cmpi ne, %convert_element_type3A_99, %cond3A_100 : i32
      scf.if %cond3A_101 {
        %add3A_156 = arith.constant 1 : i32
        %add3A_157 = arith.addi %add3A_94, %add3A_156 : i32
        %dma_start3A_158 = arith.constant 0 : i32
        %dma_start3A_159 = arith.constant 0 : i32
        %dma_start3A_160 = arith.constant 0 : i32
        %dma_start3A_161 = tpu.memref_slice %arg6[%dma_start3A_158, %dma_start3A_159, %dma_start3A_160] : memref<2x200x64xf32, #tpu.memory_space<vmem>> -> memref<1x104x64xf32, #tpu.memory_space<vmem>>
        %dma_start3A_162 = tpu.memref_squeeze %dma_start3A_161 : memref<1x104x64xf32, #tpu.memory_space<vmem>> -> memref<104x64xf32, #tpu.memory_space<vmem>>
        %dma_start3A_163 = arith.constant 0 : i32
        %dma_start3A_164 = tpu.memref_slice %arg5[%add3A_157, %dma_start3A_163] : memref<128x200xi32, #tpu.memory_space<vmem>> -> memref<1x104xi32, #tpu.memory_space<vmem>>
        %dma_start3A_165 = tpu.memref_squeeze %dma_start3A_164 : memref<1x104xi32, #tpu.memory_space<vmem>> -> memref<104xi32, #tpu.memory_space<vmem>>
        %dma_start3A_166 = arith.constant 0 : i32
        %dma_start3A_167 = arith.constant 0 : i32
        %dma_start3A_168 = tpu.memref_slice %arg3[%dma_start3A_166, %dma_start3A_167] : memref<1000000x64xf32, #tpu.memory_space<hbm>> -> memref<1000000x64xf32, #tpu.memory_space<hbm>>
        tpu.enqueue_indirect_dma source(%dma_start3A_168 : memref<1000000x64xf32, #tpu.memory_space<hbm>>) target(%dma_start3A_162 : memref<104x64xf32, #tpu.memory_space<vmem>>) offsets(%dma_start3A_165 : memref<104xi32, #tpu.memory_space<vmem>>) semaphore(%arg8 : memref<!tpu.dma_semaphore, #tpu.memory_space<semaphore_mem>>)
        %dma_start3A_169 = arith.constant 0 : i32
        %dma_start3A_170 = arith.constant 104 : i32
        %dma_start3A_171 = arith.constant 0 : i32
        %dma_start3A_172 = tpu.memref_slice %arg6[%dma_start3A_169, %dma_start3A_170, %dma_start3A_171] : memref<2x200x64xf32, #tpu.memory_space<vmem>> -> memref<1x96x64xf32, #tpu.memory_space<vmem>>
        %dma_start3A_173 = tpu.memref_squeeze %dma_start3A_172 : memref<1x96x64xf32, #tpu.memory_space<vmem>> -> memref<96x64xf32, #tpu.memory_space<vmem>>
        %dma_start3A_174 = arith.constant 104 : i32
        %dma_start3A_175 = tpu.memref_slice %arg5[%add3A_157, %dma_start3A_174] : memref<128x200xi32, #tpu.memory_space<vmem>> -> memref<1x96xi32, #tpu.memory_space<vmem>>
        %dma_start3A_176 = tpu.memref_squeeze %dma_start3A_175 : memref<1x96xi32, #tpu.memory_space<vmem>> -> memref<96xi32, #tpu.memory_space<vmem>>
        %dma_start3A_177 = arith.constant 0 : i32
        %dma_start3A_178 = arith.constant 0 : i32
        %dma_start3A_179 = tpu.memref_slice %arg3[%dma_start3A_177, %dma_start3A_178] : memref<1000000x64xf32, #tpu.memory_space<hbm>> -> memref<1000000x64xf32, #tpu.memory_space<hbm>>
        tpu.enqueue_indirect_dma source(%dma_start3A_179 : memref<1000000x64xf32, #tpu.memory_space<hbm>>) target(%dma_start3A_173 : memref<96x64xf32, #tpu.memory_space<vmem>>) offsets(%dma_start3A_176 : memref<96xi32, #tpu.memory_space<vmem>>) semaphore(%arg8 : memref<!tpu.dma_semaphore, #tpu.memory_space<semaphore_mem>>)
      } else {
      }
      %dma_wait3A_102 = arith.constant 1 : i32
      %dma_wait3A_103 = arith.constant 0 : i32
      %dma_wait3A_104 = arith.constant 0 : i32
      %dma_wait3A_105 = tpu.memref_slice %arg6[%dma_wait3A_102, %dma_wait3A_103, %dma_wait3A_104] : memref<2x200x64xf32, #tpu.memory_space<vmem>> -> memref<1x200x64xf32, #tpu.memory_space<vmem>>
      %dma_wait3A_106 = tpu.memref_squeeze %dma_wait3A_105 : memref<1x200x64xf32, #tpu.memory_space<vmem>> -> memref<200x64xf32, #tpu.memory_space<vmem>>
      %dma_wait3A_107 = arith.constant 0 : i32
      %dma_wait3A_108 = arith.constant 0 : i32
      %dma_wait3A_109 = tpu.memref_slice %arg3[%dma_wait3A_107, %dma_wait3A_108] : memref<1000000x64xf32, #tpu.memory_space<hbm>> -> memref<200x64xf32, #tpu.memory_space<hbm>>
      %dma_wait3A_110 = arith.constant 0 : i32
      %dma_wait3A_111 = arith.constant 0 : i32
      %dma_wait3A_112 = tpu.memref_slice %arg6[%dma_wait3A_102, %dma_wait3A_110, %dma_wait3A_111] : memref<2x200x64xf32, #tpu.memory_space<vmem>> -> memref<1x200x64xf32, #tpu.memory_space<vmem>>
      %dma_wait3A_113 = tpu.memref_squeeze %dma_wait3A_112 : memref<1x200x64xf32, #tpu.memory_space<vmem>> -> memref<200x64xf32, #tpu.memory_space<vmem>>
      %dma_wait3A_114 = arith.constant 0 : i32
      %dma_wait3A_115 = arith.constant 0 : i32
      %dma_wait3A_116 = tpu.memref_slice %arg3[%dma_wait3A_114, %dma_wait3A_115] : memref<1000000x64xf32, #tpu.memory_space<hbm>> -> memref<200x64xf32, #tpu.memory_space<hbm>>
      tpu.wait_dma2 semaphore(%arg9 : memref<!tpu.dma_semaphore, #tpu.memory_space<semaphore_mem>>) src(%dma_wait3A_116 : memref<200x64xf32, #tpu.memory_space<hbm>>) dst(%dma_wait3A_113 : memref<200x64xf32, #tpu.memory_space<vmem>>)
      %broadcast_in_dim3A_117 = arith.constant 0.000000e+00 : f32
      %broadcast_in_dim3A_118 = vector.broadcast %broadcast_in_dim3A_117 : f32 to vector<16xf32>
      %parallel_loop3A_119 = arith.constant 0 : i32
      %parallel_loop3A_120 = arith.constant 25 : i32
      %parallel_loop3A_121 = arith.constant 1 : i32
      %parallel_loop3A_122 = arith.constant 1 : i32
      %parallel_loop3A_123:4 = scf.for %parallel_loop3A_156 = %parallel_loop3A_119 to %parallel_loop3A_120 step %parallel_loop3A_121 iter_args(%parallel_loop3A_157 = %broadcast_in_dim3A_118, %parallel_loop3A_158 = %broadcast_in_dim3A_118, %parallel_loop3A_159 = %broadcast_in_dim3A_118, %parallel_loop3A_160 = %broadcast_in_dim3A_118) -> (vector<16xf32>, vector<16xf32>, vector<16xf32>, vector<16xf32>)  : i32 {
        %parallel_loop3A_161 = arith.constant 8 : i32
        %parallel_loop3A_162 = arith.muli %parallel_loop3A_156, %parallel_loop3A_161 : i32
        %parallel_loop3A_163 = arith.constant 0 : i32
        %parallel_loop3A_164 = arith.addi %parallel_loop3A_162, %parallel_loop3A_163 : i32
        %parallel_loop3A_165 = arith.constant 0 : i32
        %parallel_loop3A_166 = arith.constant 0 : i32
        %parallel_loop3A_167 = tpu.memref_slice %arg6[%parallel_loop3A_122, %parallel_loop3A_165, %parallel_loop3A_166] : memref<2x200x64xf32, #tpu.memory_space<vmem>> -> memref<1x200x64xf32, #tpu.memory_space<vmem>>
        %parallel_loop3A_168 = tpu.memref_squeeze %parallel_loop3A_167 : memref<1x200x64xf32, #tpu.memory_space<vmem>> -> memref<200x64xf32, #tpu.memory_space<vmem>>
        %parallel_loop3A_169 = arith.index_cast %parallel_loop3A_164 : i32 to index
        %parallel_loop3A_170 = arith.constant 0 : index
        %parallel_loop3A_171 = tpu.vector_load %parallel_loop3A_168[%parallel_loop3A_169, %parallel_loop3A_170] {strides = array<i32>} : memref<200x64xf32, #tpu.memory_space<vmem>>, vector<1x16xf32>,
        %parallel_loop3A_172 = vector.shape_cast %parallel_loop3A_171 : vector<1x16xf32> to vector<16xf32>
        %parallel_loop3A_173 = arith.addf %parallel_loop3A_157, %parallel_loop3A_172 : vector<16xf32>
        %parallel_loop3A_174 = arith.constant 0 : i32
        %parallel_loop3A_175 = arith.constant 0 : i32
        %parallel_loop3A_176 = tpu.memref_slice %arg6[%parallel_loop3A_122, %parallel_loop3A_174, %parallel_loop3A_175] : memref<2x200x64xf32, #tpu.memory_space<vmem>> -> memref<1x200x64xf32, #tpu.memory_space<vmem>>
        %parallel_loop3A_177 = tpu.memref_squeeze %parallel_loop3A_176 : memref<1x200x64xf32, #tpu.memory_space<vmem>> -> memref<200x64xf32, #tpu.memory_space<vmem>>
        %parallel_loop3A_178 = arith.index_cast %parallel_loop3A_164 : i32 to index
        %parallel_loop3A_179 = arith.constant 16 : index
        %parallel_loop3A_180 = tpu.vector_load %parallel_loop3A_177[%parallel_loop3A_178, %parallel_loop3A_179] {strides = array<i32>} : memref<200x64xf32, #tpu.memory_space<vmem>>, vector<1x16xf32>,
        %parallel_loop3A_181 = vector.shape_cast %parallel_loop3A_180 : vector<1x16xf32> to vector<16xf32>
        %parallel_loop3A_182 = arith.addf %parallel_loop3A_158, %parallel_loop3A_181 : vector<16xf32>
        %parallel_loop3A_183 = arith.constant 0 : i32
        %parallel_loop3A_184 = arith.constant 0 : i32
        %parallel_loop3A_185 = tpu.memref_slice %arg6[%parallel_loop3A_122, %parallel_loop3A_183, %parallel_loop3A_184] : memref<2x200x64xf32, #tpu.memory_space<vmem>> -> memref<1x200x64xf32, #tpu.memory_space<vmem>>
        %parallel_loop3A_186 = tpu.memref_squeeze %parallel_loop3A_185 : memref<1x200x64xf32, #tpu.memory_space<vmem>> -> memref<200x64xf32, #tpu.memory_space<vmem>>
        %parallel_loop3A_187 = arith.index_cast %parallel_loop3A_164 : i32 to index
        %parallel_loop3A_188 = arith.constant 32 : index
        %parallel_loop3A_189 = tpu.vector_load %parallel_loop3A_186[%parallel_loop3A_187, %parallel_loop3A_188] {strides = array<i32>} : memref<200x64xf32, #tpu.memory_space<vmem>>, vector<1x16xf32>,
        %parallel_loop3A_190 = vector.shape_cast %parallel_loop3A_189 : vector<1x16xf32> to vector<16xf32>
        %parallel_loop3A_191 = arith.addf %parallel_loop3A_159, %parallel_loop3A_190 : vector<16xf32>
        %parallel_loop3A_192 = arith.constant 0 : i32
        %parallel_loop3A_193 = arith.constant 0 : i32
        %parallel_loop3A_194 = tpu.memref_slice %arg6[%parallel_loop3A_122, %parallel_loop3A_192, %parallel_loop3A_193] : memref<2x200x64xf32, #tpu.memory_space<vmem>> -> memref<1x200x64xf32, #tpu.memory_space<vmem>>
        %parallel_loop3A_195 = tpu.memref_squeeze %parallel_loop3A_194 : memref<1x200x64xf32, #tpu.memory_space<vmem>> -> memref<200x64xf32, #tpu.memory_space<vmem>>
        %parallel_loop3A_196 = arith.index_cast %parallel_loop3A_164 : i32 to index
        %parallel_loop3A_197 = arith.constant 48 : index
        %parallel_loop3A_198 = tpu.vector_load %parallel_loop3A_195[%parallel_loop3A_196, %parallel_loop3A_197] {strides = array<i32>} : memref<200x64xf32, #tpu.memory_space<vmem>>, vector<1x16xf32>,
        %parallel_loop3A_199 = vector.shape_cast %parallel_loop3A_198 : vector<1x16xf32> to vector<16xf32>
        %parallel_loop3A_200 = arith.addf %parallel_loop3A_160, %parallel_loop3A_199 : vector<16xf32>
        %parallel_loop3A_201 = arith.constant 8 : i32
        %parallel_loop3A_202 = arith.muli %parallel_loop3A_156, %parallel_loop3A_201 : i32
        %parallel_loop3A_203 = arith.constant 1 : i32
        %parallel_loop3A_204 = arith.addi %parallel_loop3A_202, %parallel_loop3A_203 : i32
        %parallel_loop3A_205 = arith.constant 0 : i32
        %parallel_loop3A_206 = arith.constant 0 : i32
        %parallel_loop3A_207 = tpu.memref_slice %arg6[%parallel_loop3A_122, %parallel_loop3A_205, %parallel_loop3A_206] : memref<2x200x64xf32, #tpu.memory_space<vmem>> -> memref<1x200x64xf32, #tpu.memory_space<vmem>>
        %parallel_loop3A_208 = tpu.memref_squeeze %parallel_loop3A_207 : memref<1x200x64xf32, #tpu.memory_space<vmem>> -> memref<200x64xf32, #tpu.memory_space<vmem>>
        %parallel_loop3A_209 = arith.index_cast %parallel_loop3A_204 : i32 to index
        %parallel_loop3A_210 = arith.constant 0 : index
        %parallel_loop3A_211 = tpu.vector_load %parallel_loop3A_208[%parallel_loop3A_209, %parallel_loop3A_210] {strides = array<i32>} : memref<200x64xf32, #tpu.memory_space<vmem>>, vector<1x16xf32>,
        %parallel_loop3A_212 = vector.shape_cast %parallel_loop3A_211 : vector<1x16xf32> to vector<16xf32>
        %parallel_loop3A_213 = arith.addf %parallel_loop3A_173, %parallel_loop3A_212 : vector<16xf32>
        %parallel_loop3A_214 = arith.constant 0 : i32
        %parallel_loop3A_215 = arith.constant 0 : i32
        %parallel_loop3A_216 = tpu.memref_slice %arg6[%parallel_loop3A_122, %parallel_loop3A_214, %parallel_loop3A_215] : memref<2x200x64xf32, #tpu.memory_space<vmem>> -> memref<1x200x64xf32, #tpu.memory_space<vmem>>
        %parallel_loop3A_217 = tpu.memref_squeeze %parallel_loop3A_216 : memref<1x200x64xf32, #tpu.memory_space<vmem>> -> memref<200x64xf32, #tpu.memory_space<vmem>>
        %parallel_loop3A_218 = arith.index_cast %parallel_loop3A_204 : i32 to index
        %parallel_loop3A_219 = arith.constant 16 : index
        %parallel_loop3A_220 = tpu.vector_load %parallel_loop3A_217[%parallel_loop3A_218, %parallel_loop3A_219] {strides = array<i32>} : memref<200x64xf32, #tpu.memory_space<vmem>>, vector<1x16xf32>,
        %parallel_loop3A_221 = vector.shape_cast %parallel_loop3A_220 : vector<1x16xf32> to vector<16xf32>
        %parallel_loop3A_222 = arith.addf %parallel_loop3A_182, %parallel_loop3A_221 : vector<16xf32>
        %parallel_loop3A_223 = arith.constant 0 : i32
        %parallel_loop3A_224 = arith.constant 0 : i32
        %parallel_loop3A_225 = tpu.memref_slice %arg6[%parallel_loop3A_122, %parallel_loop3A_223, %parallel_loop3A_224] : memref<2x200x64xf32, #tpu.memory_space<vmem>> -> memref<1x200x64xf32, #tpu.memory_space<vmem>>
        %parallel_loop3A_226 = tpu.memref_squeeze %parallel_loop3A_225 : memref<1x200x64xf32, #tpu.memory_space<vmem>> -> memref<200x64xf32, #tpu.memory_space<vmem>>
        %parallel_loop3A_227 = arith.index_cast %parallel_loop3A_204 : i32 to index
        %parallel_loop3A_228 = arith.constant 32 : index
        %parallel_loop3A_229 = tpu.vector_load %parallel_loop3A_226[%parallel_loop3A_227, %parallel_loop3A_228] {strides = array<i32>} : memref<200x64xf32, #tpu.memory_space<vmem>>, vector<1x16xf32>,
        %parallel_loop3A_230 = vector.shape_cast %parallel_loop3A_229 : vector<1x16xf32> to vector<16xf32>
        %parallel_loop3A_231 = arith.addf %parallel_loop3A_191, %parallel_loop3A_230 : vector<16xf32>
        %parallel_loop3A_232 = arith.constant 0 : i32
        %parallel_loop3A_233 = arith.constant 0 : i32
        %parallel_loop3A_234 = tpu.memref_slice %arg6[%parallel_loop3A_122, %parallel_loop3A_232, %parallel_loop3A_233] : memref<2x200x64xf32, #tpu.memory_space<vmem>> -> memref<1x200x64xf32, #tpu.memory_space<vmem>>
        %parallel_loop3A_235 = tpu.memref_squeeze %parallel_loop3A_234 : memref<1x200x64xf32, #tpu.memory_space<vmem>> -> memref<200x64xf32, #tpu.memory_space<vmem>>
        %parallel_loop3A_236 = arith.index_cast %parallel_loop3A_204 : i32 to index
        %parallel_loop3A_237 = arith.constant 48 : index
        %parallel_loop3A_238 = tpu.vector_load %parallel_loop3A_235[%parallel_loop3A_236, %parallel_loop3A_237] {strides = array<i32>} : memref<200x64xf32, #tpu.memory_space<vmem>>, vector<1x16xf32>,
        %parallel_loop3A_239 = vector.shape_cast %parallel_loop3A_238 : vector<1x16xf32> to vector<16xf32>
        %parallel_loop3A_240 = arith.addf %parallel_loop3A_200, %parallel_loop3A_239 : vector<16xf32>
        %parallel_loop3A_241 = arith.constant 8 : i32
        %parallel_loop3A_242 = arith.muli %parallel_loop3A_156, %parallel_loop3A_241 : i32
        %parallel_loop3A_243 = arith.constant 2 : i32
        %parallel_loop3A_244 = arith.addi %parallel_loop3A_242, %parallel_loop3A_243 : i32
        %parallel_loop3A_245 = arith.constant 0 : i32
        %parallel_loop3A_246 = arith.constant 0 : i32
        %parallel_loop3A_247 = tpu.memref_slice %arg6[%parallel_loop3A_122, %parallel_loop3A_245, %parallel_loop3A_246] : memref<2x200x64xf32, #tpu.memory_space<vmem>> -> memref<1x200x64xf32, #tpu.memory_space<vmem>>
        %parallel_loop3A_248 = tpu.memref_squeeze %parallel_loop3A_247 : memref<1x200x64xf32, #tpu.memory_space<vmem>> -> memref<200x64xf32, #tpu.memory_space<vmem>>
        %parallel_loop3A_249 = arith.index_cast %parallel_loop3A_244 : i32 to index
        %parallel_loop3A_250 = arith.constant 0 : index
        %parallel_loop3A_251 = tpu.vector_load %parallel_loop3A_248[%parallel_loop3A_249, %parallel_loop3A_250] {strides = array<i32>} : memref<200x64xf32, #tpu.memory_space<vmem>>, vector<1x16xf32>,
        %parallel_loop3A_252 = vector.shape_cast %parallel_loop3A_251 : vector<1x16xf32> to vector<16xf32>
        %parallel_loop3A_253 = arith.addf %parallel_loop3A_213, %parallel_loop3A_252 : vector<16xf32>
        %parallel_loop3A_254 = arith.constant 0 : i32
        %parallel_loop3A_255 = arith.constant 0 : i32
        %parallel_loop3A_256 = tpu.memref_slice %arg6[%parallel_loop3A_122, %parallel_loop3A_254, %parallel_loop3A_255] : memref<2x200x64xf32, #tpu.memory_space<vmem>> -> memref<1x200x64xf32, #tpu.memory_space<vmem>>
        %parallel_loop3A_257 = tpu.memref_squeeze %parallel_loop3A_256 : memref<1x200x64xf32, #tpu.memory_space<vmem>> -> memref<200x64xf32, #tpu.memory_space<vmem>>
        %parallel_loop3A_258 = arith.index_cast %parallel_loop3A_244 : i32 to index
        %parallel_loop3A_259 = arith.constant 16 : index
        %parallel_loop3A_260 = tpu.vector_load %parallel_loop3A_257[%parallel_loop3A_258, %parallel_loop3A_259] {strides = array<i32>} : memref<200x64xf32, #tpu.memory_space<vmem>>, vector<1x16xf32>,
        %parallel_loop3A_261 = vector.shape_cast %parallel_loop3A_260 : vector<1x16xf32> to vector<16xf32>
        %parallel_loop3A_262 = arith.addf %parallel_loop3A_222, %parallel_loop3A_261 : vector<16xf32>
        %parallel_loop3A_263 = arith.constant 0 : i32
        %parallel_loop3A_264 = arith.constant 0 : i32
        %parallel_loop3A_265 = tpu.memref_slice %arg6[%parallel_loop3A_122, %parallel_loop3A_263, %parallel_loop3A_264] : memref<2x200x64xf32, #tpu.memory_space<vmem>> -> memref<1x200x64xf32, #tpu.memory_space<vmem>>
        %parallel_loop3A_266 = tpu.memref_squeeze %parallel_loop3A_265 : memref<1x200x64xf32, #tpu.memory_space<vmem>> -> memref<200x64xf32, #tpu.memory_space<vmem>>
        %parallel_loop3A_267 = arith.index_cast %parallel_loop3A_244 : i32 to index
        %parallel_loop3A_268 = arith.constant 32 : index
        %parallel_loop3A_269 = tpu.vector_load %parallel_loop3A_266[%parallel_loop3A_267, %parallel_loop3A_268] {strides = array<i32>} : memref<200x64xf32, #tpu.memory_space<vmem>>, vector<1x16xf32>,
        %parallel_loop3A_270 = vector.shape_cast %parallel_loop3A_269 : vector<1x16xf32> to vector<16xf32>
        %parallel_loop3A_271 = arith.addf %parallel_loop3A_231, %parallel_loop3A_270 : vector<16xf32>
        %parallel_loop3A_272 = arith.constant 0 : i32
        %parallel_loop3A_273 = arith.constant 0 : i32
        %parallel_loop3A_274 = tpu.memref_slice %arg6[%parallel_loop3A_122, %parallel_loop3A_272, %parallel_loop3A_273] : memref<2x200x64xf32, #tpu.memory_space<vmem>> -> memref<1x200x64xf32, #tpu.memory_space<vmem>>
        %parallel_loop3A_275 = tpu.memref_squeeze %parallel_loop3A_274 : memref<1x200x64xf32, #tpu.memory_space<vmem>> -> memref<200x64xf32, #tpu.memory_space<vmem>>
        %parallel_loop3A_276 = arith.index_cast %parallel_loop3A_244 : i32 to index
        %parallel_loop3A_277 = arith.constant 48 : index
        %parallel_loop3A_278 = tpu.vector_load %parallel_loop3A_275[%parallel_loop3A_276, %parallel_loop3A_277] {strides = array<i32>} : memref<200x64xf32, #tpu.memory_space<vmem>>, vector<1x16xf32>,
        %parallel_loop3A_279 = vector.shape_cast %parallel_loop3A_278 : vector<1x16xf32> to vector<16xf32>
        %parallel_loop3A_280 = arith.addf %parallel_loop3A_240, %parallel_loop3A_279 : vector<16xf32>
        %parallel_loop3A_281 = arith.constant 8 : i32
        %parallel_loop3A_282 = arith.muli %parallel_loop3A_156, %parallel_loop3A_281 : i32
        %parallel_loop3A_283 = arith.constant 3 : i32
        %parallel_loop3A_284 = arith.addi %parallel_loop3A_282, %parallel_loop3A_283 : i32
        %parallel_loop3A_285 = arith.constant 0 : i32
        %parallel_loop3A_286 = arith.constant 0 : i32
        %parallel_loop3A_287 = tpu.memref_slice %arg6[%parallel_loop3A_122, %parallel_loop3A_285, %parallel_loop3A_286] : memref<2x200x64xf32, #tpu.memory_space<vmem>> -> memref<1x200x64xf32, #tpu.memory_space<vmem>>
        %parallel_loop3A_288 = tpu.memref_squeeze %parallel_loop3A_287 : memref<1x200x64xf32, #tpu.memory_space<vmem>> -> memref<200x64xf32, #tpu.memory_space<vmem>>
        %parallel_loop3A_289 = arith.index_cast %parallel_loop3A_284 : i32 to index
        %parallel_loop3A_290 = arith.constant 0 : index
        %parallel_loop3A_291 = tpu.vector_load %parallel_loop3A_288[%parallel_loop3A_289, %parallel_loop3A_290] {strides = array<i32>} : memref<200x64xf32, #tpu.memory_space<vmem>>, vector<1x16xf32>,
        %parallel_loop3A_292 = vector.shape_cast %parallel_loop3A_291 : vector<1x16xf32> to vector<16xf32>
        %parallel_loop3A_293 = arith.addf %parallel_loop3A_253, %parallel_loop3A_292 : vector<16xf32>
        %parallel_loop3A_294 = arith.constant 0 : i32
        %parallel_loop3A_295 = arith.constant 0 : i32
        %parallel_loop3A_296 = tpu.memref_slice %arg6[%parallel_loop3A_122, %parallel_loop3A_294, %parallel_loop3A_295] : memref<2x200x64xf32, #tpu.memory_space<vmem>> -> memref<1x200x64xf32, #tpu.memory_space<vmem>>
        %parallel_loop3A_297 = tpu.memref_squeeze %parallel_loop3A_296 : memref<1x200x64xf32, #tpu.memory_space<vmem>> -> memref<200x64xf32, #tpu.memory_space<vmem>>
        %parallel_loop3A_298 = arith.index_cast %parallel_loop3A_284 : i32 to index
        %parallel_loop3A_299 = arith.constant 16 : index
        %parallel_loop3A_300 = tpu.vector_load %parallel_loop3A_297[%parallel_loop3A_298, %parallel_loop3A_299] {strides = array<i32>} : memref<200x64xf32, #tpu.memory_space<vmem>>, vector<1x16xf32>,
        %parallel_loop3A_301 = vector.shape_cast %parallel_loop3A_300 : vector<1x16xf32> to vector<16xf32>
        %parallel_loop3A_302 = arith.addf %parallel_loop3A_262, %parallel_loop3A_301 : vector<16xf32>
        %parallel_loop3A_303 = arith.constant 0 : i32
        %parallel_loop3A_304 = arith.constant 0 : i32
        %parallel_loop3A_305 = tpu.memref_slice %arg6[%parallel_loop3A_122, %parallel_loop3A_303, %parallel_loop3A_304] : memref<2x200x64xf32, #tpu.memory_space<vmem>> -> memref<1x200x64xf32, #tpu.memory_space<vmem>>
        %parallel_loop3A_306 = tpu.memref_squeeze %parallel_loop3A_305 : memref<1x200x64xf32, #tpu.memory_space<vmem>> -> memref<200x64xf32, #tpu.memory_space<vmem>>
        %parallel_loop3A_307 = arith.index_cast %parallel_loop3A_284 : i32 to index
        %parallel_loop3A_308 = arith.constant 32 : index
        %parallel_loop3A_309 = tpu.vector_load %parallel_loop3A_306[%parallel_loop3A_307, %parallel_loop3A_308] {strides = array<i32>} : memref<200x64xf32, #tpu.memory_space<vmem>>, vector<1x16xf32>,
        %parallel_loop3A_310 = vector.shape_cast %parallel_loop3A_309 : vector<1x16xf32> to vector<16xf32>
        %parallel_loop3A_311 = arith.addf %parallel_loop3A_271, %parallel_loop3A_310 : vector<16xf32>
        %parallel_loop3A_312 = arith.constant 0 : i32
        %parallel_loop3A_313 = arith.constant 0 : i32
        %parallel_loop3A_314 = tpu.memref_slice %arg6[%parallel_loop3A_122, %parallel_loop3A_312, %parallel_loop3A_313] : memref<2x200x64xf32, #tpu.memory_space<vmem>> -> memref<1x200x64xf32, #tpu.memory_space<vmem>>
        %parallel_loop3A_315 = tpu.memref_squeeze %parallel_loop3A_314 : memref<1x200x64xf32, #tpu.memory_space<vmem>> -> memref<200x64xf32, #tpu.memory_space<vmem>>
        %parallel_loop3A_316 = arith.index_cast %parallel_loop3A_284 : i32 to index
        %parallel_loop3A_317 = arith.constant 48 : index
        %parallel_loop3A_318 = tpu.vector_load %parallel_loop3A_315[%parallel_loop3A_316, %parallel_loop3A_317] {strides = array<i32>} : memref<200x64xf32, #tpu.memory_space<vmem>>, vector<1x16xf32>,
        %parallel_loop3A_319 = vector.shape_cast %parallel_loop3A_318 : vector<1x16xf32> to vector<16xf32>
        %parallel_loop3A_320 = arith.addf %parallel_loop3A_280, %parallel_loop3A_319 : vector<16xf32>
        %parallel_loop3A_321 = arith.constant 8 : i32
        %parallel_loop3A_322 = arith.muli %parallel_loop3A_156, %parallel_loop3A_321 : i32
        %parallel_loop3A_323 = arith.constant 4 : i32
        %parallel_loop3A_324 = arith.addi %parallel_loop3A_322, %parallel_loop3A_323 : i32
        %parallel_loop3A_325 = arith.constant 0 : i32
        %parallel_loop3A_326 = arith.constant 0 : i32
        %parallel_loop3A_327 = tpu.memref_slice %arg6[%parallel_loop3A_122, %parallel_loop3A_325, %parallel_loop3A_326] : memref<2x200x64xf32, #tpu.memory_space<vmem>> -> memref<1x200x64xf32, #tpu.memory_space<vmem>>
        %parallel_loop3A_328 = tpu.memref_squeeze %parallel_loop3A_327 : memref<1x200x64xf32, #tpu.memory_space<vmem>> -> memref<200x64xf32, #tpu.memory_space<vmem>>
        %parallel_loop3A_329 = arith.index_cast %parallel_loop3A_324 : i32 to index
        %parallel_loop3A_330 = arith.constant 0 : index
        %parallel_loop3A_331 = tpu.vector_load %parallel_loop3A_328[%parallel_loop3A_329, %parallel_loop3A_330] {strides = array<i32>} : memref<200x64xf32, #tpu.memory_space<vmem>>, vector<1x16xf32>,
        %parallel_loop3A_332 = vector.shape_cast %parallel_loop3A_331 : vector<1x16xf32> to vector<16xf32>
        %parallel_loop3A_333 = arith.addf %parallel_loop3A_293, %parallel_loop3A_332 : vector<16xf32>
        %parallel_loop3A_334 = arith.constant 0 : i32
        %parallel_loop3A_335 = arith.constant 0 : i32
        %parallel_loop3A_336 = tpu.memref_slice %arg6[%parallel_loop3A_122, %parallel_loop3A_334, %parallel_loop3A_335] : memref<2x200x64xf32, #tpu.memory_space<vmem>> -> memref<1x200x64xf32, #tpu.memory_space<vmem>>
        %parallel_loop3A_337 = tpu.memref_squeeze %parallel_loop3A_336 : memref<1x200x64xf32, #tpu.memory_space<vmem>> -> memref<200x64xf32, #tpu.memory_space<vmem>>
        %parallel_loop3A_338 = arith.index_cast %parallel_loop3A_324 : i32 to index
        %parallel_loop3A_339 = arith.constant 16 : index
        %parallel_loop3A_340 = tpu.vector_load %parallel_loop3A_337[%parallel_loop3A_338, %parallel_loop3A_339] {strides = array<i32>} : memref<200x64xf32, #tpu.memory_space<vmem>>, vector<1x16xf32>,
        %parallel_loop3A_341 = vector.shape_cast %parallel_loop3A_340 : vector<1x16xf32> to vector<16xf32>
        %parallel_loop3A_342 = arith.addf %parallel_loop3A_302, %parallel_loop3A_341 : vector<16xf32>
        %parallel_loop3A_343 = arith.constant 0 : i32
        %parallel_loop3A_344 = arith.constant 0 : i32
        %parallel_loop3A_345 = tpu.memref_slice %arg6[%parallel_loop3A_122, %parallel_loop3A_343, %parallel_loop3A_344] : memref<2x200x64xf32, #tpu.memory_space<vmem>> -> memref<1x200x64xf32, #tpu.memory_space<vmem>>
        %parallel_loop3A_346 = tpu.memref_squeeze %parallel_loop3A_345 : memref<1x200x64xf32, #tpu.memory_space<vmem>> -> memref<200x64xf32, #tpu.memory_space<vmem>>
        %parallel_loop3A_347 = arith.index_cast %parallel_loop3A_324 : i32 to index
        %parallel_loop3A_348 = arith.constant 32 : index
        %parallel_loop3A_349 = tpu.vector_load %parallel_loop3A_346[%parallel_loop3A_347, %parallel_loop3A_348] {strides = array<i32>} : memref<200x64xf32, #tpu.memory_space<vmem>>, vector<1x16xf32>,
        %parallel_loop3A_350 = vector.shape_cast %parallel_loop3A_349 : vector<1x16xf32> to vector<16xf32>
        %parallel_loop3A_351 = arith.addf %parallel_loop3A_311, %parallel_loop3A_350 : vector<16xf32>
        %parallel_loop3A_352 = arith.constant 0 : i32
        %parallel_loop3A_353 = arith.constant 0 : i32
        %parallel_loop3A_354 = tpu.memref_slice %arg6[%parallel_loop3A_122, %parallel_loop3A_352, %parallel_loop3A_353] : memref<2x200x64xf32, #tpu.memory_space<vmem>> -> memref<1x200x64xf32, #tpu.memory_space<vmem>>
        %parallel_loop3A_355 = tpu.memref_squeeze %parallel_loop3A_354 : memref<1x200x64xf32, #tpu.memory_space<vmem>> -> memref<200x64xf32, #tpu.memory_space<vmem>>
        %parallel_loop3A_356 = arith.index_cast %parallel_loop3A_324 : i32 to index
        %parallel_loop3A_357 = arith.constant 48 : index
        %parallel_loop3A_358 = tpu.vector_load %parallel_loop3A_355[%parallel_loop3A_356, %parallel_loop3A_357] {strides = array<i32>} : memref<200x64xf32, #tpu.memory_space<vmem>>, vector<1x16xf32>,
        %parallel_loop3A_359 = vector.shape_cast %parallel_loop3A_358 : vector<1x16xf32> to vector<16xf32>
        %parallel_loop3A_360 = arith.addf %parallel_loop3A_320, %parallel_loop3A_359 : vector<16xf32>
        %parallel_loop3A_361 = arith.constant 8 : i32
        %parallel_loop3A_362 = arith.muli %parallel_loop3A_156, %parallel_loop3A_361 : i32
        %parallel_loop3A_363 = arith.constant 5 : i32
        %parallel_loop3A_364 = arith.addi %parallel_loop3A_362, %parallel_loop3A_363 : i32
        %parallel_loop3A_365 = arith.constant 0 : i32
        %parallel_loop3A_366 = arith.constant 0 : i32
        %parallel_loop3A_367 = tpu.memref_slice %arg6[%parallel_loop3A_122, %parallel_loop3A_365, %parallel_loop3A_366] : memref<2x200x64xf32, #tpu.memory_space<vmem>> -> memref<1x200x64xf32, #tpu.memory_space<vmem>>
        %parallel_loop3A_368 = tpu.memref_squeeze %parallel_loop3A_367 : memref<1x200x64xf32, #tpu.memory_space<vmem>> -> memref<200x64xf32, #tpu.memory_space<vmem>>
        %parallel_loop3A_369 = arith.index_cast %parallel_loop3A_364 : i32 to index
        %parallel_loop3A_370 = arith.constant 0 : index
        %parallel_loop3A_371 = tpu.vector_load %parallel_loop3A_368[%parallel_loop3A_369, %parallel_loop3A_370] {strides = array<i32>} : memref<200x64xf32, #tpu.memory_space<vmem>>, vector<1x16xf32>,
        %parallel_loop3A_372 = vector.shape_cast %parallel_loop3A_371 : vector<1x16xf32> to vector<16xf32>
        %parallel_loop3A_373 = arith.addf %parallel_loop3A_333, %parallel_loop3A_372 : vector<16xf32>
        %parallel_loop3A_374 = arith.constant 0 : i32
        %parallel_loop3A_375 = arith.constant 0 : i32
        %parallel_loop3A_376 = tpu.memref_slice %arg6[%parallel_loop3A_122, %parallel_loop3A_374, %parallel_loop3A_375] : memref<2x200x64xf32, #tpu.memory_space<vmem>> -> memref<1x200x64xf32, #tpu.memory_space<vmem>>
        %parallel_loop3A_377 = tpu.memref_squeeze %parallel_loop3A_376 : memref<1x200x64xf32, #tpu.memory_space<vmem>> -> memref<200x64xf32, #tpu.memory_space<vmem>>
        %parallel_loop3A_378 = arith.index_cast %parallel_loop3A_364 : i32 to index
        %parallel_loop3A_379 = arith.constant 16 : index
        %parallel_loop3A_380 = tpu.vector_load %parallel_loop3A_377[%parallel_loop3A_378, %parallel_loop3A_379] {strides = array<i32>} : memref<200x64xf32, #tpu.memory_space<vmem>>, vector<1x16xf32>,
        %parallel_loop3A_381 = vector.shape_cast %parallel_loop3A_380 : vector<1x16xf32> to vector<16xf32>
        %parallel_loop3A_382 = arith.addf %parallel_loop3A_342, %parallel_loop3A_381 : vector<16xf32>
        %parallel_loop3A_383 = arith.constant 0 : i32
        %parallel_loop3A_384 = arith.constant 0 : i32
        %parallel_loop3A_385 = tpu.memref_slice %arg6[%parallel_loop3A_122, %parallel_loop3A_383, %parallel_loop3A_384] : memref<2x200x64xf32, #tpu.memory_space<vmem>> -> memref<1x200x64xf32, #tpu.memory_space<vmem>>
        %parallel_loop3A_386 = tpu.memref_squeeze %parallel_loop3A_385 : memref<1x200x64xf32, #tpu.memory_space<vmem>> -> memref<200x64xf32, #tpu.memory_space<vmem>>
        %parallel_loop3A_387 = arith.index_cast %parallel_loop3A_364 : i32 to index
        %parallel_loop3A_388 = arith.constant 32 : index
        %parallel_loop3A_389 = tpu.vector_load %parallel_loop3A_386[%parallel_loop3A_387, %parallel_loop3A_388] {strides = array<i32>} : memref<200x64xf32, #tpu.memory_space<vmem>>, vector<1x16xf32>,
        %parallel_loop3A_390 = vector.shape_cast %parallel_loop3A_389 : vector<1x16xf32> to vector<16xf32>
        %parallel_loop3A_391 = arith.addf %parallel_loop3A_351, %parallel_loop3A_390 : vector<16xf32>
        %parallel_loop3A_392 = arith.constant 0 : i32
        %parallel_loop3A_393 = arith.constant 0 : i32
        %parallel_loop3A_394 = tpu.memref_slice %arg6[%parallel_loop3A_122, %parallel_loop3A_392, %parallel_loop3A_393] : memref<2x200x64xf32, #tpu.memory_space<vmem>> -> memref<1x200x64xf32, #tpu.memory_space<vmem>>
        %parallel_loop3A_395 = tpu.memref_squeeze %parallel_loop3A_394 : memref<1x200x64xf32, #tpu.memory_space<vmem>> -> memref<200x64xf32, #tpu.memory_space<vmem>>
        %parallel_loop3A_396 = arith.index_cast %parallel_loop3A_364 : i32 to index
        %parallel_loop3A_397 = arith.constant 48 : index
        %parallel_loop3A_398 = tpu.vector_load %parallel_loop3A_395[%parallel_loop3A_396, %parallel_loop3A_397] {strides = array<i32>} : memref<200x64xf32, #tpu.memory_space<vmem>>, vector<1x16xf32>,
        %parallel_loop3A_399 = vector.shape_cast %parallel_loop3A_398 : vector<1x16xf32> to vector<16xf32>
        %parallel_loop3A_400 = arith.addf %parallel_loop3A_360, %parallel_loop3A_399 : vector<16xf32>
        %parallel_loop3A_401 = arith.constant 8 : i32
        %parallel_loop3A_402 = arith.muli %parallel_loop3A_156, %parallel_loop3A_401 : i32
        %parallel_loop3A_403 = arith.constant 6 : i32
        %parallel_loop3A_404 = arith.addi %parallel_loop3A_402, %parallel_loop3A_403 : i32
        %parallel_loop3A_405 = arith.constant 0 : i32
        %parallel_loop3A_406 = arith.constant 0 : i32
        %parallel_loop3A_407 = tpu.memref_slice %arg6[%parallel_loop3A_122, %parallel_loop3A_405, %parallel_loop3A_406] : memref<2x200x64xf32, #tpu.memory_space<vmem>> -> memref<1x200x64xf32, #tpu.memory_space<vmem>>
        %parallel_loop3A_408 = tpu.memref_squeeze %parallel_loop3A_407 : memref<1x200x64xf32, #tpu.memory_space<vmem>> -> memref<200x64xf32, #tpu.memory_space<vmem>>
        %parallel_loop3A_409 = arith.index_cast %parallel_loop3A_404 : i32 to index
        %parallel_loop3A_410 = arith.constant 0 : index
        %parallel_loop3A_411 = tpu.vector_load %parallel_loop3A_408[%parallel_loop3A_409, %parallel_loop3A_410] {strides = array<i32>} : memref<200x64xf32, #tpu.memory_space<vmem>>, vector<1x16xf32>,
        %parallel_loop3A_412 = vector.shape_cast %parallel_loop3A_411 : vector<1x16xf32> to vector<16xf32>
        %parallel_loop3A_413 = arith.addf %parallel_loop3A_373, %parallel_loop3A_412 : vector<16xf32>
        %parallel_loop3A_414 = arith.constant 0 : i32
        %parallel_loop3A_415 = arith.constant 0 : i32
        %parallel_loop3A_416 = tpu.memref_slice %arg6[%parallel_loop3A_122, %parallel_loop3A_414, %parallel_loop3A_415] : memref<2x200x64xf32, #tpu.memory_space<vmem>> -> memref<1x200x64xf32, #tpu.memory_space<vmem>>
        %parallel_loop3A_417 = tpu.memref_squeeze %parallel_loop3A_416 : memref<1x200x64xf32, #tpu.memory_space<vmem>> -> memref<200x64xf32, #tpu.memory_space<vmem>>
        %parallel_loop3A_418 = arith.index_cast %parallel_loop3A_404 : i32 to index
        %parallel_loop3A_419 = arith.constant 16 : index
        %parallel_loop3A_420 = tpu.vector_load %parallel_loop3A_417[%parallel_loop3A_418, %parallel_loop3A_419] {strides = array<i32>} : memref<200x64xf32, #tpu.memory_space<vmem>>, vector<1x16xf32>,
        %parallel_loop3A_421 = vector.shape_cast %parallel_loop3A_420 : vector<1x16xf32> to vector<16xf32>
        %parallel_loop3A_422 = arith.addf %parallel_loop3A_382, %parallel_loop3A_421 : vector<16xf32>
        %parallel_loop3A_423 = arith.constant 0 : i32
        %parallel_loop3A_424 = arith.constant 0 : i32
        %parallel_loop3A_425 = tpu.memref_slice %arg6[%parallel_loop3A_122, %parallel_loop3A_423, %parallel_loop3A_424] : memref<2x200x64xf32, #tpu.memory_space<vmem>> -> memref<1x200x64xf32, #tpu.memory_space<vmem>>
        %parallel_loop3A_426 = tpu.memref_squeeze %parallel_loop3A_425 : memref<1x200x64xf32, #tpu.memory_space<vmem>> -> memref<200x64xf32, #tpu.memory_space<vmem>>
        %parallel_loop3A_427 = arith.index_cast %parallel_loop3A_404 : i32 to index
        %parallel_loop3A_428 = arith.constant 32 : index
        %parallel_loop3A_429 = tpu.vector_load %parallel_loop3A_426[%parallel_loop3A_427, %parallel_loop3A_428] {strides = array<i32>} : memref<200x64xf32, #tpu.memory_space<vmem>>, vector<1x16xf32>,
        %parallel_loop3A_430 = vector.shape_cast %parallel_loop3A_429 : vector<1x16xf32> to vector<16xf32>
        %parallel_loop3A_431 = arith.addf %parallel_loop3A_391, %parallel_loop3A_430 : vector<16xf32>
        %parallel_loop3A_432 = arith.constant 0 : i32
        %parallel_loop3A_433 = arith.constant 0 : i32
        %parallel_loop3A_434 = tpu.memref_slice %arg6[%parallel_loop3A_122, %parallel_loop3A_432, %parallel_loop3A_433] : memref<2x200x64xf32, #tpu.memory_space<vmem>> -> memref<1x200x64xf32, #tpu.memory_space<vmem>>
        %parallel_loop3A_435 = tpu.memref_squeeze %parallel_loop3A_434 : memref<1x200x64xf32, #tpu.memory_space<vmem>> -> memref<200x64xf32, #tpu.memory_space<vmem>>
        %parallel_loop3A_436 = arith.index_cast %parallel_loop3A_404 : i32 to index
        %parallel_loop3A_437 = arith.constant 48 : index
        %parallel_loop3A_438 = tpu.vector_load %parallel_loop3A_435[%parallel_loop3A_436, %parallel_loop3A_437] {strides = array<i32>} : memref<200x64xf32, #tpu.memory_space<vmem>>, vector<1x16xf32>,
        %parallel_loop3A_439 = vector.shape_cast %parallel_loop3A_438 : vector<1x16xf32> to vector<16xf32>
        %parallel_loop3A_440 = arith.addf %parallel_loop3A_400, %parallel_loop3A_439 : vector<16xf32>
        %parallel_loop3A_441 = arith.constant 8 : i32
        %parallel_loop3A_442 = arith.muli %parallel_loop3A_156, %parallel_loop3A_441 : i32
        %parallel_loop3A_443 = arith.constant 7 : i32
        %parallel_loop3A_444 = arith.addi %parallel_loop3A_442, %parallel_loop3A_443 : i32
        %parallel_loop3A_445 = arith.constant 0 : i32
        %parallel_loop3A_446 = arith.constant 0 : i32
        %parallel_loop3A_447 = tpu.memref_slice %arg6[%parallel_loop3A_122, %parallel_loop3A_445, %parallel_loop3A_446] : memref<2x200x64xf32, #tpu.memory_space<vmem>> -> memref<1x200x64xf32, #tpu.memory_space<vmem>>
        %parallel_loop3A_448 = tpu.memref_squeeze %parallel_loop3A_447 : memref<1x200x64xf32, #tpu.memory_space<vmem>> -> memref<200x64xf32, #tpu.memory_space<vmem>>
        %parallel_loop3A_449 = arith.index_cast %parallel_loop3A_444 : i32 to index
        %parallel_loop3A_450 = arith.constant 0 : index
        %parallel_loop3A_451 = tpu.vector_load %parallel_loop3A_448[%parallel_loop3A_449, %parallel_loop3A_450] {strides = array<i32>} : memref<200x64xf32, #tpu.memory_space<vmem>>, vector<1x16xf32>,
        %parallel_loop3A_452 = vector.shape_cast %parallel_loop3A_451 : vector<1x16xf32> to vector<16xf32>
        %parallel_loop3A_453 = arith.addf %parallel_loop3A_413, %parallel_loop3A_452 : vector<16xf32>
        %parallel_loop3A_454 = arith.constant 0 : i32
        %parallel_loop3A_455 = arith.constant 0 : i32
        %parallel_loop3A_456 = tpu.memref_slice %arg6[%parallel_loop3A_122, %parallel_loop3A_454, %parallel_loop3A_455] : memref<2x200x64xf32, #tpu.memory_space<vmem>> -> memref<1x200x64xf32, #tpu.memory_space<vmem>>
        %parallel_loop3A_457 = tpu.memref_squeeze %parallel_loop3A_456 : memref<1x200x64xf32, #tpu.memory_space<vmem>> -> memref<200x64xf32, #tpu.memory_space<vmem>>
        %parallel_loop3A_458 = arith.index_cast %parallel_loop3A_444 : i32 to index
        %parallel_loop3A_459 = arith.constant 16 : index
        %parallel_loop3A_460 = tpu.vector_load %parallel_loop3A_457[%parallel_loop3A_458, %parallel_loop3A_459] {strides = array<i32>} : memref<200x64xf32, #tpu.memory_space<vmem>>, vector<1x16xf32>,
        %parallel_loop3A_461 = vector.shape_cast %parallel_loop3A_460 : vector<1x16xf32> to vector<16xf32>
        %parallel_loop3A_462 = arith.addf %parallel_loop3A_422, %parallel_loop3A_461 : vector<16xf32>
        %parallel_loop3A_463 = arith.constant 0 : i32
        %parallel_loop3A_464 = arith.constant 0 : i32
        %parallel_loop3A_465 = tpu.memref_slice %arg6[%parallel_loop3A_122, %parallel_loop3A_463, %parallel_loop3A_464] : memref<2x200x64xf32, #tpu.memory_space<vmem>> -> memref<1x200x64xf32, #tpu.memory_space<vmem>>
        %parallel_loop3A_466 = tpu.memref_squeeze %parallel_loop3A_465 : memref<1x200x64xf32, #tpu.memory_space<vmem>> -> memref<200x64xf32, #tpu.memory_space<vmem>>
        %parallel_loop3A_467 = arith.index_cast %parallel_loop3A_444 : i32 to index
        %parallel_loop3A_468 = arith.constant 32 : index
        %parallel_loop3A_469 = tpu.vector_load %parallel_loop3A_466[%parallel_loop3A_467, %parallel_loop3A_468] {strides = array<i32>} : memref<200x64xf32, #tpu.memory_space<vmem>>, vector<1x16xf32>,
        %parallel_loop3A_470 = vector.shape_cast %parallel_loop3A_469 : vector<1x16xf32> to vector<16xf32>
        %parallel_loop3A_471 = arith.addf %parallel_loop3A_431, %parallel_loop3A_470 : vector<16xf32>
        %parallel_loop3A_472 = arith.constant 0 : i32
        %parallel_loop3A_473 = arith.constant 0 : i32
        %parallel_loop3A_474 = tpu.memref_slice %arg6[%parallel_loop3A_122, %parallel_loop3A_472, %parallel_loop3A_473] : memref<2x200x64xf32, #tpu.memory_space<vmem>> -> memref<1x200x64xf32, #tpu.memory_space<vmem>>
        %parallel_loop3A_475 = tpu.memref_squeeze %parallel_loop3A_474 : memref<1x200x64xf32, #tpu.memory_space<vmem>> -> memref<200x64xf32, #tpu.memory_space<vmem>>
        %parallel_loop3A_476 = arith.index_cast %parallel_loop3A_444 : i32 to index
        %parallel_loop3A_477 = arith.constant 48 : index
        %parallel_loop3A_478 = tpu.vector_load %parallel_loop3A_475[%parallel_loop3A_476, %parallel_loop3A_477] {strides = array<i32>} : memref<200x64xf32, #tpu.memory_space<vmem>>, vector<1x16xf32>,
        %parallel_loop3A_479 = vector.shape_cast %parallel_loop3A_478 : vector<1x16xf32> to vector<16xf32>
        %parallel_loop3A_480 = arith.addf %parallel_loop3A_440, %parallel_loop3A_479 : vector<16xf32>
        scf.yield %parallel_loop3A_453, %parallel_loop3A_462, %parallel_loop3A_471, %parallel_loop3A_480 : vector<16xf32>, vector<16xf32>, vector<16xf32>, vector<16xf32>
      } {sc.loop_unroll_factor = 2 : i64, sc.parallel_access}
      %mul3A_124 = arith.constant 5.000000e-03 : f32
      %mul3A_125 = vector.broadcast %mul3A_124 : f32 to vector<16xf32>
      %mul3A_126 = arith.mulf %parallel_loop3A_123#0, %mul3A_125 : vector<16xf32>
      %swap3A_127 = arith.index_cast %add3A_94 : i32 to index
      %swap3A_128 = arith.constant 0 : index
      %swap3A_129 = tpu.vector_load %arg7[%swap3A_127, %swap3A_128] {strides = array<i32>} : memref<128x64xf32, #tpu.memory_space<vmem>>, vector<1x16xf32>,
      %swap3A_130 = vector.shape_cast %swap3A_129 : vector<1x16xf32> to vector<16xf32>
      %swap3A_131 = vector.shape_cast %mul3A_126 : vector<16xf32> to vector<1x16xf32>
      tpu.vector_store %arg7[%swap3A_127, %swap3A_128], %swap3A_131 {strides = array<i32>} : memref<128x64xf32, #tpu.memory_space<vmem>>, vector<1x16xf32>,
      %mul3A_132 = arith.constant 5.000000e-03 : f32
      %mul3A_133 = vector.broadcast %mul3A_132 : f32 to vector<16xf32>
      %mul3A_134 = arith.mulf %parallel_loop3A_123#1, %mul3A_133 : vector<16xf32>
      %swap3A_135 = arith.index_cast %add3A_94 : i32 to index
      %swap3A_136 = arith.constant 16 : index
      %swap3A_137 = tpu.vector_load %arg7[%swap3A_135, %swap3A_136] {strides = array<i32>} : memref<128x64xf32, #tpu.memory_space<vmem>>, vector<1x16xf32>,
      %swap3A_138 = vector.shape_cast %swap3A_137 : vector<1x16xf32> to vector<16xf32>
      %swap3A_139 = vector.shape_cast %mul3A_134 : vector<16xf32> to vector<1x16xf32>
      tpu.vector_store %arg7[%swap3A_135, %swap3A_136], %swap3A_139 {strides = array<i32>} : memref<128x64xf32, #tpu.memory_space<vmem>>, vector<1x16xf32>,
      %mul3A_140 = arith.constant 5.000000e-03 : f32
      %mul3A_141 = vector.broadcast %mul3A_140 : f32 to vector<16xf32>
      %mul3A_142 = arith.mulf %parallel_loop3A_123#2, %mul3A_141 : vector<16xf32>
      %swap3A_143 = arith.index_cast %add3A_94 : i32 to index
      %swap3A_144 = arith.constant 32 : index
      %swap3A_145 = tpu.vector_load %arg7[%swap3A_143, %swap3A_144] {strides = array<i32>} : memref<128x64xf32, #tpu.memory_space<vmem>>, vector<1x16xf32>,
      %swap3A_146 = vector.shape_cast %swap3A_145 : vector<1x16xf32> to vector<16xf32>
      %swap3A_147 = vector.shape_cast %mul3A_142 : vector<16xf32> to vector<1x16xf32>
      tpu.vector_store %arg7[%swap3A_143, %swap3A_144], %swap3A_147 {strides = array<i32>} : memref<128x64xf32, #tpu.memory_space<vmem>>, vector<1x16xf32>,
      %mul3A_148 = arith.constant 5.000000e-03 : f32
      %mul3A_149 = vector.broadcast %mul3A_148 : f32 to vector<16xf32>
      %mul3A_150 = arith.mulf %parallel_loop3A_123#3, %mul3A_149 : vector<16xf32>
      %swap3A_151 = arith.index_cast %add3A_94 : i32 to index
      %swap3A_152 = arith.constant 48 : index
      %swap3A_153 = tpu.vector_load %arg7[%swap3A_151, %swap3A_152] {strides = array<i32>} : memref<128x64xf32, #tpu.memory_space<vmem>>, vector<1x16xf32>,
      %swap3A_154 = vector.shape_cast %swap3A_153 : vector<1x16xf32> to vector<16xf32>
      %swap3A_155 = vector.shape_cast %mul3A_150 : vector<16xf32> to vector<1x16xf32>
      tpu.vector_store %arg7[%swap3A_151, %swap3A_152], %swap3A_155 {strides = array<i32>} : memref<128x64xf32, #tpu.memory_space<vmem>>, vector<1x16xf32>,
    }
    %scan3A_29 = arith.constant 64 : i32
    %mul3A_30 = arith.constant 128 : i32
    %mul3A_31 = arith.muli %add3A, %mul3A_30 : i32
    "tpu.region"() ({
      %run_scoped3A = tpu.sem_alloc : memref<!tpu.dma_semaphore, #tpu.memory_space<semaphore_mem>>
      %dma_start3A_32 = arith.constant 0 : i32
      %dma_start3A_33 = tpu.memref_slice %arg4[%mul3A_31, %dma_start3A_32] : memref<4096x64xf32, #tpu.memory_space<hbm>> -> memref<128x64xf32, #tpu.memory_space<hbm>>
      %dma_start3A_34 = arith.constant 0 : i32
      %dma_start3A_35 = tpu.memref_slice %arg4[%mul3A_31, %dma_start3A_34] : memref<4096x64xf32, #tpu.memory_space<hbm>> -> memref<128x64xf32, #tpu.memory_space<hbm>>
      tpu.enqueue_dma source(%arg7 : memref<128x64xf32, #tpu.memory_space<vmem>>) target(%dma_start3A_35 : memref<128x64xf32, #tpu.memory_space<hbm>>) target_semaphore(%run_scoped3A : memref<!tpu.dma_semaphore, #tpu.memory_space<semaphore_mem>>)
      %dma_wait3A = arith.constant 0 : i32
      %dma_wait3A_36 = tpu.memref_slice %arg4[%mul3A_31, %dma_wait3A] : memref<4096x64xf32, #tpu.memory_space<hbm>> -> memref<128x64xf32, #tpu.memory_space<hbm>>
      %dma_wait3A_37 = arith.constant 0 : i32
      %dma_wait3A_38 = tpu.memref_slice %arg4[%mul3A_31, %dma_wait3A_37] : memref<4096x64xf32, #tpu.memory_space<hbm>> -> memref<128x64xf32, #tpu.memory_space<hbm>>
      tpu.wait_dma2 semaphore(%run_scoped3A : memref<!tpu.dma_semaphore, #tpu.memory_space<semaphore_mem>>) src(%arg7 : memref<128x64xf32, #tpu.memory_space<vmem>>) dst(%dma_wait3A_38 : memref<128x64xf32, #tpu.memory_space<hbm>>)
      tpu.yield
    }) : () -> ()
    return
  }
}

</mosaic_0001>

<sc_bundles>
// kernel: kernel.3.cloned.1.call-start
scs
__scs_entry_jumppad:
0x0: {  	(pc) =	sbr.rel $0x88, $3  }
0x1: {  	(tag) =	ssettag $0x0;
	lr =	simm.s32 $0x1  }
0x2: {  	[smem:$0x3F9F] =	sst lr;
	_ =	strace $0xD0000000  }
0x3: {  	_ = 	snop  }
0x4: {  	_ = 	snop  }
0x5: {  	_ = 	snop  }
0x6: {  	_ = 	snop  }
0x7: {  	_ = 	snop  }
__scs_overlays_trampoline_lowered:
0x8: {  	[smem:$0x3FAE] =	sst s0  }
0x9: {  	[smem:$0x3FAF] =	sst s1  }
0xa: {  	[smem:$0x3FB0] =	sst s2  }
0xb: {  	[smem:$0x3FB1] =	sst s3  }
0xc: {  	[smem:$0x3FB2] =	sst s4  }
0xd: {  	[smem:$0x3FB3] =	sst s5  }
0xe: {  	[smem:$0x3FB4] =	sst s6  }
0xf: {  	[smem:$0x3FB5] =	sst s7  }
0x10: {  	[smem:$0x3FB6] =	sst s8  }
0x11: {  	[smem:$0x3FB7] =	sst s9;
	s0 =	simm.s32 @!p0 $0x0  }
0x12: {  	s1 =	sld [smem:$0x3F9D];
	s0 =	simm.s32 @p0 $0x1  }
0x13: {  	[smem:$0x3FB8] =	sst s0;
	s0 =	simm.s32 @!p1 $0x0  }
0x14: {  	s2 =	sld [smem:$0x3F9C];
	s0 =	simm.s32 @p1 $0x1  }
0x15: {  	[smem:$0x3FB9] =	sst s0;
	s0 =	simm.s32 @!p2 $0x0  }
0x16: {  	s3 =	sld [smem:$0x3FDB];
	s0 =	simm.s32 @p2 $0x1  }
0x17: {  	s4 =	simm.s32 $0x1BF5;
	[smem:$0x3FBB] =	sst s0  }
0x18: {  	s0 =	sld [smem:$0x3F9E];
	_ =	swait.ge [sflag:s4], $0x0  }
0x19: {  	s7 =	sld [smem:$0x3F9F]  }
0x1a: {  	s8 =	sadd.s32 $0xFFFFE003, lr  }
0x1b: {  	s9 =	sadd.s32 $0xFFFFFEF7, lr;
	s5 =	simm.s32 $0xFFFFFFFF;
	p2 =	slt.u32 s8, $0xFFFFF086  }
0x1c: {  	p1 =	slt.u32 s9, $0xF7A;
	s5 =	simm.s32 @!p2 $0x0  }
0x1d: {  	s5 =	simm.s32 @p1 $0x1;
	p0 =	seq.s32 s7, s2  }
0x1e: {  	s7 =	smul.u32 @!p0 $0xF7A, s2;
	p2 =	seq.s32 @!p0 s5, $0x0  }
0x1f: {  	s9 =	smul.u32 $0xF7A, s1;
	s8 =	simm.s32 @!p0 $0x1BF5;
	p2 =	por !p2, p0  }
0x20: {  	[sflag:s8] =	ssyncset.s32 @!p0 $0xFFFFF086;
	s6 =	sadd.s32 @!p0 s3, s7;
	s7 =	simm.s32 @!p0 $0x108  }
0x21: {  	s3 =	sadd.s32 s3, s9;
	s6 =	sadd.s32 @!p0 $0x88, s6;
	s7 =	simm.s32 @p2 $0x1082  }
0x22: {  	[simem:s7], [sflag:s8] =	dma.local @!p0 [hbm:s6], $0xF7A  }
0x23: {  	s9 =	sor.u32 $0xD0000000, s2;
	s6 =	simm.s32 $0x108;
	_ =	swait.ge @!p0 [sflag:s8], $0x0  }
0x24: {  	s3 =	sadd.s32 $0x88, s3;
	s6 =	simm.s32 @!p1 $0x1082;
	[sflag:s4] =	ssyncset.s32 $0xFFFFF086  }
0x25: {  	[simem:s6], [sflag:s4] =	dma.local [hbm:s3], $0xF7A  }
0x26: {  	[smem:$0x3F9F] =	sst s1;
	(tag) =	ssettag s2;
	_ =	strace s9  }
0x27: {  	s1 =	sld [smem:$0x3FAF]  }
0x28: {  	s2 =	sld [smem:$0x3FB0]  }
0x29: {  	s4 =	sld [smem:$0x3FB2]  }
0x2a: {  	p0 =	seq.s32 s5, $0x0;
	s5 =	sld [smem:$0x3FB3]  }
0x2b: {  	s6 =	sld [smem:$0x3FB4]  }
0x2c: {  	s7 =	sld [smem:$0x3FB5]  }
0x2d: {  	s3 =	simm.s32 $0x108;
	s8 =	sld [smem:$0x3FB6]  }
0x2e: {  	s3 =	simm.s32 @!p0 $0x1082;
	s9 =	sld [smem:$0x3FB7]  }
0x2f: {  	lr =	sadd.s32 s0, s3;
	s0 =	sld [smem:$0x3FAE]  }
0x30: {  	s3 =	sld [smem:$0x3FB1]  }
0x31: {  	[smem:$0x3FBA] =	sst s10  }
0x32: {  	s10 =	sld [smem:$0x3FB8];
	_ =	sdelay $0x3  }
0x33: {  	p0 =	seq.s32 s10, $0x1;
	s10 =	sld [smem:$0x3FBA];
	_ =	sdelay $0x3  }
0x34: {  	[smem:$0x3FBA] =	sst s10  }
0x35: {  	s10 =	sld [smem:$0x3FB9];
	_ =	sdelay $0x3  }
0x36: {  	p1 =	seq.s32 s10, $0x1;
	s10 =	sld [smem:$0x3FBA];
	_ =	sdelay $0x3  }
0x37: {  	[smem:$0x3FBA] =	sst s10  }
0x38: {  	s10 =	sld [smem:$0x3FBB]  }
0x39: {  	_ = 	snop;
	(pc) =	sbr.ind lr, $3  }
0x3a: {  	_ = 	snop  }
0x3b: {  	_ = 	snop  }
0x3c: {  	p2 =	seq.s32 s10, $0x1;
	s10 =	sld [smem:$0x3FBA]  }
0x3d: {  	_ =	shalt  }
0x3e: {  	_ =	shalt  }
0x3f: {  	_ =	shalt  }
0x40: {  	_ =	shalt  }
0x41: {  	_ =	shalt  }
0x42: {  	_ =	shalt  }
0x43: {  	_ =	shalt  }
0x44: {  	_ =	shalt  }
0x45: {  	_ =	shalt  }
0x46: {  	_ =	shalt  }
0x47: {  	_ =	shalt  }
0x48: {  	_ =	shalt  }
0x49: {  	_ =	shalt  }
0x4a: {  	_ =	shalt  }
0x4b: {  	_ =	shalt  }
0x4c: {  	_ =	shalt  }
0x4d: {  	_ =	shalt  }
0x4e: {  	_ =	shalt  }
0x4f: {  	_ =	shalt  }
0x50: {  	_ =	shalt  }
0x51: {  	_ =	shalt  }
0x52: {  	_ =	shalt  }
0x53: {  	_ =	shalt  }
0x54: {  	_ =	shalt  }
0x55: {  	_ =	shalt  }
0x56: {  	_ =	shalt  }
0x57: {  	_ =	shalt  }
0x58: {  	_ =	shalt  }
0x59: {  	_ =	shalt  }
0x5a: {  	_ =	shalt  }
0x5b: {  	_ =	shalt  }
0x5c: {  	_ =	shalt  }
0x5d: {  	_ =	shalt  }
0x5e: {  	_ =	shalt  }
0x5f: {  	_ =	shalt  }
0x60: {  	_ =	shalt  }
0x61: {  	_ =	shalt  }
0x62: {  	_ =	shalt  }
0x63: {  	_ =	shalt  }
0x64: {  	_ =	shalt  }
0x65: {  	_ =	shalt  }
0x66: {  	_ =	shalt  }
0x67: {  	_ =	shalt  }
0x68: {  	_ =	shalt  }
0x69: {  	_ =	shalt  }
0x6a: {  	_ =	shalt  }
0x6b: {  	_ =	shalt  }
0x6c: {  	_ =	shalt  }
0x6d: {  	_ =	shalt  }
0x6e: {  	_ =	shalt  }
0x6f: {  	_ =	shalt  }
0x70: {  	_ =	shalt  }
0x71: {  	_ =	shalt  }
0x72: {  	_ =	shalt  }
0x73: {  	_ =	shalt  }
0x74: {  	_ =	shalt  }
0x75: {  	_ =	shalt  }
0x76: {  	_ =	shalt  }
0x77: {  	_ =	shalt  }
0x78: {  	_ =	shalt  }
0x79: {  	_ =	shalt  }
0x7a: {  	_ =	shalt  }
0x7b: {  	_ =	shalt  }
0x7c: {  	_ =	shalt  }
0x7d: {  	_ =	shalt  }
0x7e: {  	_ =	shalt  }
0x7f: {  	_ =	shalt  }
0x80: {  	_ =	shalt  }
0x81: {  	_ =	shalt  }
0x82: {  	_ =	shalt  }
0x83: {  	_ =	shalt  }
0x84: {  	_ =	shalt  }
0x85: {  	_ =	shalt  }
0x86: {  	_ =	shalt  }
0x87: {  	_ =	shalt  }
.Lfunc_end0:
.L_simem_size_0:
called_computation_lowered:
.L_overlay_start_0:
0x88: {  	s2 =	sld [smem:$0x3FD9]  }
0x89: {  	s3 =	sld [smem:$0x3FFE];
	_ =	sdelay $0x1  }
0x8a: {  	s1 =	srdreg.scid  }
0x8b: {  	s0 =	sand.u32 $0x1, s1  }
0x8c: {  	s17 =	sshll.u32 s0, $0xA;
	s2 =	sadd.s32 s3, s2  }
0x8d: {  	s2 =	sadd.s32 s2, s17  }
0x8e: {  	[smem:$0x3FC6] =	sst s2  }
0x8f: {  	_ = 	snop  }
0x90: {  	s2 =	sld [smem:$0x3FD0];
	(tm) =	ssettm $0x1  }
0x91: {  	s18 =	sld [smem:$0x3FFB];
	_ =	sdelay $0x3  }
0x92: {  	_ =	strace s18  }
0x93: {  	s3 =	sld [smem:$0x3FFC];
	_ =	sdelay $0x3  }
0x94: {  	_ =	strace s3  }
0x95: {  	s3 =	sld [smem:$0x3FFD];
	_ =	sdelay $0x3  }
0x96: {  	_ =	strace s3  }
0x97: {  	_ =	strace $0x8FFFFFFF  }
0x98: {  	s19 =	sld [smem:$0x3FDB];
	_ =	sdelay $0x1  }
0x99: {  	s4 =	simm.s32 $_scs_section_size  }
0x9a: {  	s5 =	simm.s32 $_size__tile_overlayer_lowered;
	s6 =	simm.s32 $_tile_overlayer_lowered  }
0x9b: {  	s22 =	simm.s32 $0x1BFF;
	s21 =	sshll.u32 s6, $0x1;
	s3 =	sadd.s32 s4, s19  }
0x9c: {  	s7 =	simm.s32 $0x0;
	s20 =	sshll.u32 s5, $0x1;
	s5 =	sadd.s32 s21, s3  }
0x9d: {  	[timem:s7], [sflag:s22] =	dma.local [hbm:s5], s20  }
0x9e: {  	_ =	swait.ge [sflag:s22], s20  }
0x9f: {  	s4 =	ssub.s32 $0x0, s20;
	[sflag:s22] =	ssyncset.done $0x0  }
0xa0: {  	[sflag:s22] =	ssyncadd.s32 s4;
	_ =	sdelay $0x1  }
0xa1: {  	s23 =	simm.s32 $0x1B8B  }
0xa2: {  	_ =	swait.ge [sflag:s23], $0x1  }
0xa3: {  	[sflag:s23] =	ssyncset.done $0x0  }
0xa4: {  	s25 =	simm.s32 $0x1B8E;
	s24 =	sld [smem:$0x3FFE];
	[sflag:s23] =	ssyncadd.s32 $0xFFFFFFFF  }
0xa5: {  	s26 =	simm.s32 $execute0_lowered;
	[smem:$0x3FD2] =	sst s25  }
0xa6: {  	s5 =	sshll.u32 s26, $0x1;
	_ =	strace $0x80000046;
	[dreg:$0x1] =	wrdreg $0xFFFFFFFF  }
0xa7: {  	s28 =	simm.s32 $_size_execute0_lowered;
	s3 =	sadd.s32 s3, s5;
	[dreg:$0x0] =	wrdreg $0x0  }
0xa8: {  	s5 =	sshll.u32 s28, $0x1;
	[dreg:$0x2] =	wrdreg s3  }
0xa9: {  	[dreg:$0x3] =	wrdreg s5  }
0xaa: {  	[dreg:$0x4] =	wrdreg $0xC0  }
0xab: {  	_ =	task [dreg:s7], $0x5FFFF  }
0xac: {  	[dreg:$0x1] =	wrdreg $0xFFFFFFFF  }
0xad: {  	[dreg:$0x0] =	wrdreg $0x60  }
0xae: {  	[dreg:$0x2] =	wrdreg s24  }
0xaf: {  	[dreg:$0x3] =	wrdreg s2  }
0xb0: {  	[dreg:$0x4] =	wrdreg $0x9  }
0xb1: {  	_ =	task.clear_ibuf [dreg:s7], $0x5FFFF;
	_ =	strace $0x90000046  }
0xb2: {  	s29 =	simm.s32 $0x9;
	_ =	strace $0x80000048  }
0xb3: {  	_ =	swait.ge [sflag:s29], $0x1  }
0xb4: {  	[sflag:s29] =	ssyncadd.s32 $0xFFFFFFFF  }
0xb5: {  	_ =	strace $0x90000048  }
0xb6: {  	_ =	sfence  }
0xb7: {  	s30 =	sld [smem:$0x0];
	_ =	sdelay $0x2  }
0xb8: {  	s31 =	sshll.u32 s1, $0xD;
	s1 =	sshrl.u32 s1, $0x2  }
0xb9: {  	s3 =	sand.u32 $0x4000, s31;
	s1 =	sadd.s32 s1, s30  }
0xba: {  	s0 =	sor.u32 s3, s0;
	s1 =	sshll.u32 s1, $0x11  }
0xbb: {  	s0 =	sor.u32 s1, s0  }
0xbc: {  	s0 =	sadd.s32 $0x8F2B, s0  }
0xbd: {  	[sflag:s0] =	ssyncadd.remote.s32 $0x1  }
0xbe: {  	_ =	sfence.sel $0xFFFF  }
0xbf: {  	[dreg:$0x0] =	wrdreg $0xFFFFFFFF;
	(pc) =	sbr.abs _section_cstart, $3  }
0xc0: {  	[dreg:$0x1] =	wrdreg $0xFFFFFFFF  }
0xc1: {  	_ =	task.clear_ibuf [dreg:s7], $0x2FFFF;
	_ =	strace $0x9FFFFFFF  }
0xc2: {  	(tm) =	ssettm $0x7FFFFFFF  }
0xc3: {  	_ =	shalt  }
tec
execute0_lowered:
.L_overlay_start_1:
0x0: {  	(tag) =	ssettag $0x1  }
0x1: {  	s1 =	srdreg.scid  }
0x2: {  	s0 =	stileid.u32;
	s4 =	rddreg [dreg:$0x0]  }
0x3: {  	s5 =	rddreg [dreg:$0x1];
	s9 =	simm.s32 $0x6400;
	s10 =	simm.s32 $0x60  }
0x4: {  	s11 =	simm.s32 $0x7E00;
	s12 =	simm.s32 $0x9600;
	s13 =	simm.s32 $0xB000  }
0x5: {  	s14 =	simm.s32 $0x1;
	s15 =	simm.s32 $0x2;
	s16 =	simm.s32 $0xC800  }
0x6: {  	s17 =	simm.s32 $0x0;
	s3 =	sand.u32 $0x1, s1;
	s30 =	sshll.u32 s0, $0x8  }
0x7: {  	s1 =	rddreg [dreg:$0x2];
	s2 =	sshll.u32 s3, $0x7;
	s8 =	ssub.s32 $0x2, s3  }
0x8: {  	s3 =	sadd.s32 $0xF42A00, s4;
	s6 =	sor.u32 s2, s30;
	s2 =	simm.s32 $0x0  }
0x9: {  	s31 =	sshrl.u32 s8, $0x1;
	s7 =	smul.u32 $0x19, s6;
	[smem:$0x7FF] =	sst s2  }
0xa: {  	s6 =	sshll.u32 s6, $0x3;
	s8 =	ssub.s32 s8, s31;
	_ =	strace $0x80000047  }
0xb: {  	s5 =	sadd.s32 s5, s6;
	s6 =	smax.u32 s8, $0x1;
	s7 =	sadd.s32 s7, s4  }
0xc: {  	s8 =	simm.s32 $0x68;
	s4 =	sadd.s32 $0x600, s7;
	s7 =	simm.s32 $0x3  }
.LBB2_1:
0xd: {  	[tilespmem:s2], [sflag:$0x3] =	stream.linear.gather [hbm4b:s4+s2], $0x6400, $0x38;
	[tilespmem:$0xE800] =	vst v63  }
0xe: {  	_ =	swait.ge [sflag:s7], $0x6400  }
0xf: {  	[sflag:s7] =	ssyncset.done $0x0  }
0x10: {  	[sflag:s7] =	ssyncadd.s32 $0xFFFF9C00  }
0x11: {  	[tilespmem:s9], [sflag:$0x1] =	stream.indirect.gather [hbm4b:s3+s8], $0x40, s2, s8, $0xb8;
	[tilespmem:$0xE800] =	vst v63  }
0x12: {  	s18 =	simm.s32 $0x0  }
0x13: {  	[tilespmem:s11], [sflag:$0x1] =	stream.indirect.gather [hbm4b:s3+s10], $0x40, s8, s10, $0xb8;
	[tilespmem:$0xE800] =	vst v63  }
.LBB2_2:
0x14: {  	s19 =	sshllo.u32 s18, $0x1  }
0x15: {  	s20 =	smul.u32 $0x320, s19;
	_ =	sdelay $0x1  }
0x16: {  	s20 =	sshra.s32 s20, $0x2  }
0x17: {  	[tilespmem:s12], [sflag:$0x2] =	stream.indirect.gather [hbm4b:s3+s8], $0x40, s20, s8, $0xb8;
	[tilespmem:$0xE800] =	vst v63  }
0x18: {  	s20 =	sadd.s32 $0x68, s20  }
0x19: {  	[tilespmem:s13], [sflag:$0x2] =	stream.indirect.gather [hbm4b:s3+s10], $0x40, s20, s10, $0xb8;
	[tilespmem:$0xE800] =	vst v63  }
0x1a: {  	_ =	swait.ge [sflag:s14], $0x3200  }
0x1b: {  	[sflag:s14] =	ssyncset.done $0x0  }
0x1c: {  	s20 =	simm.s32 $0x0;
	[sflag:s14] =	ssyncadd.s32 $0xFFFFCE00  }
0x1d: {  	v0 =	vld [tilespmem:s20+$0x65C0]  }
0x1e: {  	v1 =	vld [tilespmem:s20+$0x65D0]  }
0x1f: {  	v2 =	vld [tilespmem:s20+$0x6580]  }
0x20: {  	v3 =	vld [tilespmem:s20+$0x6590]  }
0x21: {  	v4 =	vld [tilespmem:s20+$0x6540]  }
0x22: {  	v5 =	vld [tilespmem:s20+$0x6550]  }
0x23: {  	v6 =	vld [tilespmem:s20+$0x6500]  }
0x24: {  	v7 =	vld [tilespmem:s20+$0x6510]  }
0x25: {  	v9 =	vld [tilespmem:s20+$0x64C0]  }
0x26: {  	v8 =	vld [tilespmem:s20+$0x64D0]  }
0x27: {  	v11 =	vld [tilespmem:s20+$0x6480]  }
0x28: {  	v10 =	vld [tilespmem:s20+$0x6490]  }
0x29: {  	v17 =	vld [tilespmem:s20+$0x6440]  }
0x2a: {  	v16 =	vld [tilespmem:s20+$0x6450]  }
0x2b: {  	v19 =	vld [tilespmem:s20+$0x6400]  }
0x2c: {  	v12 =	vimm.f32 $0.0e+00;
	v20 =	vld [tilespmem:s20+$0x6410]  }
0x2d: {  	s21 =	simm.s32 $0x800;
	v15 =	vimm.f32 $0.0e+00;
	v14 =	vimm.f32 $0.0e+00;
	v13 =	vimm.f32 $0.0e+00;
	v18 =	vld [tilespmem:s20+$0x6420]  }
.LBB2_3:
0x2e: {  	p0 =	sne.s32 s21, $0xC000;
	v21 =	vld [tilespmem:s20+$0x6430]  }
0x2f: {  	v22 =	vld [tilespmem:s20+$0x6460]  }
0x30: {  	v23 =	vld [tilespmem:s20+$0x6470]  }
0x31: {  	v24 =	vld [tilespmem:s20+$0x64A0]  }
0x32: {  	v12 =	vadd.f32 v19, v12;
	v15 =	vadd.f32 v20, v15;
	v19 =	vld [tilespmem:s20+$0x64B0]  }
0x33: {  	v14 =	vadd.f32 v18, v14;
	v13 =	vadd.f32 v21, v13;
	v18 =	vld [tilespmem:s20+$0x64E0]  }
0x34: {  	v12 =	vadd.f32 v17, v12;
	v15 =	vadd.f32 v16, v15;
	v16 =	vld [tilespmem:s20+$0x64F0]  }
0x35: {  	v14 =	vadd.f32 v22, v14;
	v13 =	vadd.f32 v23, v13;
	v17 =	vld [tilespmem:s20+$0x6520]  }
0x36: {  	v11 =	vadd.f32 v11, v12;
	v10 =	vadd.f32 v10, v15;
	v12 =	vld [tilespmem:s20+$0x6530]  }
0x37: {  	v14 =	vadd.f32 v24, v14;
	v13 =	vadd.f32 v19, v13;
	v15 =	vld [tilespmem:s20+$0x6560]  }
0x38: {  	v9 =	vadd.f32 v9, v11;
	v8 =	vadd.f32 v8, v10;
	v10 =	vld [tilespmem:s20+$0x6570]  }
0x39: {  	v11 =	vadd.f32 v18, v14;
	v13 =	vadd.f32 v16, v13;
	v14 =	vld [tilespmem:s20+$0x65A0]  }
0x3a: {  	v6 =	vadd.f32 v6, v9;
	v7 =	vadd.f32 v7, v8;
	v8 =	vld [tilespmem:s20+$0x65B0]  }
0x3b: {  	v9 =	vadd.f32 v17, v11;
	v11 =	vadd.f32 v12, v13;
	v13 =	vld [tilespmem:s20+$0x65E0]  }
0x3c: {  	v4 =	vadd.f32 v4, v6;
	v5 =	vadd.f32 v5, v7;
	v6 =	vld [tilespmem:s20+$0x65F0];
	s20 =	sshra.s32 s21, $0x2  }
0x3d: {  	v9 =	vadd.f32 v15, v9;
	v7 =	vld [tilespmem:s20+$0x65C0];
	v10 =	vadd.f32 v10, v11  }
0x3e: {  	v4 =	vadd.f32 v2, v4;
	v5 =	vadd.f32 v3, v5;
	v11 =	vld [tilespmem:s20+$0x65D0]  }
0x3f: {  	v9 =	vadd.f32 v14, v9;
	v2 =	vld [tilespmem:s20+$0x6580];
	v8 =	vadd.f32 v8, v10  }
0x40: {  	v12 =	vadd.f32 v0, v4;
	v15 =	vadd.f32 v1, v5;
	v3 =	vld [tilespmem:s20+$0x6590]  }
0x41: {  	v14 =	vadd.f32 v13, v9;
	v4 =	vld [tilespmem:s20+$0x6540];
	v13 =	vadd.f32 v6, v8  }
0x42: {  	v5 =	vld [tilespmem:s20+$0x6550];
	v0 =	vmov v7  }
0x43: {  	v6 =	vld [tilespmem:s20+$0x6500];
	v1 =	vmov v11  }
0x44: {  	v7 =	vld [tilespmem:s20+$0x6510]  }
0x45: {  	v9 =	vld [tilespmem:s20+$0x64C0]  }
0x46: {  	v8 =	vld [tilespmem:s20+$0x64D0]  }
0x47: {  	v11 =	vld [tilespmem:s20+$0x6480]  }
0x48: {  	v10 =	vld [tilespmem:s20+$0x6490]  }
.Ltmp0:
0x49: {  	v17 =	vld [tilespmem:s20+$0x6440];
	(pc) =	sbr.rel @p0 .LBB2_3-.Ltmp0, $4  }
0x4a: {  	v16 =	vld [tilespmem:s20+$0x6450]  }
0x4b: {  	v19 =	vld [tilespmem:s20+$0x6400]  }
0x4c: {  	v20 =	vld [tilespmem:s20+$0x6410]  }
0x4d: {  	s21 =	sadd.s32 $0x800, s21;
	v18 =	vld [tilespmem:s20+$0x6420]  }
0x4e: {  	v21 =	vld [tilespmem:s20+$0x6430]  }
0x4f: {  	v22 =	vld [tilespmem:s20+$0x6460]  }
0x50: {  	v23 =	vld [tilespmem:s20+$0x6470];
	v12 =	vadd.f32 v19, v12  }
0x51: {  	v19 =	vld [tilespmem:s20+$0x64A0];
	v15 =	vadd.f32 v20, v15  }
0x52: {  	v20 =	vld [tilespmem:s20+$0x64B0];
	v14 =	vadd.f32 v18, v14;
	v12 =	vadd.f32 v17, v12  }
0x53: {  	v17 =	vld [tilespmem:s20+$0x64E0];
	v13 =	vadd.f32 v21, v13;
	v15 =	vadd.f32 v16, v15  }
0x54: {  	v16 =	vld [tilespmem:s20+$0x64F0];
	v14 =	vadd.f32 v22, v14;
	v11 =	vadd.f32 v11, v12  }
0x55: {  	v12 =	vadd.f32 v23, v13;
	v13 =	vld [tilespmem:s20+$0x6520];
	v10 =	vadd.f32 v10, v15  }
0x56: {  	v15 =	vld [tilespmem:s20+$0x6530];
	v14 =	vadd.f32 v19, v14;
	v9 =	vadd.f32 v9, v11  }
0x57: {  	v11 =	vadd.f32 v20, v12;
	v12 =	vld [tilespmem:s20+$0x6560];
	v8 =	vadd.f32 v8, v10  }
0x58: {  	v10 =	vld [tilespmem:s20+$0x6570];
	v14 =	vadd.f32 v17, v14;
	v6 =	vadd.f32 v6, v9  }
0x59: {  	v9 =	vadd.f32 v16, v11;
	v11 =	vld [tilespmem:s20+$0x65A0];
	v7 =	vadd.f32 v7, v8  }
0x5a: {  	v8 =	vld [tilespmem:s20+$0x65B0];
	v13 =	vadd.f32 v13, v14;
	v4 =	vadd.f32 v4, v6  }
0x5b: {  	v6 =	vadd.f32 v15, v9;
	v9 =	vld [tilespmem:s20+$0x65E0];
	v5 =	vadd.f32 v5, v7  }
0x5c: {  	v7 =	vld [tilespmem:s20+$0x65F0];
	v12 =	vadd.f32 v12, v13;
	v2 =	vadd.f32 v2, v4  }
0x5d: {  	v4 =	vadd.f32 v10, v6;
	v3 =	vadd.f32 v3, v5  }
0x5e: {  	v5 =	vadd.f32 v11, v12;
	v0 =	vadd.f32 v0, v2  }
0x5f: {  	v2 =	vadd.f32 v8, v4;
	v1 =	vadd.f32 v1, v3  }
0x60: {  	s31 =	sshll.u32 s18, $0x7;
	v3 =	vadd.f32 v9, v5;
	v0 =	vmul.f32 $4.999999890e-03, v0  }
0x61: {  	p0 =	seq.s32 s18, $0x3F;
	s20 =	sand.u32 $0x3FFFFF80, s31;
	v2 =	vadd.f32 v7, v2;
	v1 =	vmul.f32 $4.999999890e-03, v1  }
0x62: {  	s21 =	smul.u32 @!p0 $0x640, s18;
	[tilespmem:s20+$0xC800] =	vst v0;
	v0 =	vmul.f32 $4.999999890e-03, v3  }
0x63: {  	[tilespmem:s20+$0xC810] =	vst v1;
	v1 =	vmul.f32 $4.999999890e-03, v2  }
0x64: {  	s21 =	sshra.s32 @!p0 s21, $0x2;
	[tilespmem:s20+$0xC820] =	vst v0  }
0x65: {  	s22 =	simm.s32 @!p0 $0x68;
	s23 =	simm.s32 @!p0 $0x6400;
	[tilespmem:s20+$0xC830] =	vst v1;
	s20 =	sadd.s32 @!p0 $0x190, s21  }
0x66: {  	[tilespmem:s23], [sflag:$0x1] =	stream.indirect.gather @!p0 [hbm4b:s3+s22], $0x40, s20, s22, $0xb8;
	[tilespmem:$0xE800] =	vst v63  }
0x67: {  	s20 =	sadd.s32 @!p0 $0x1F8, s21;
	s21 =	simm.s32 @!p0 $0x60;
	s22 =	simm.s32 @!p0 $0x7E00  }
0x68: {  	[tilespmem:s22], [sflag:$0x1] =	stream.indirect.gather @!p0 [hbm4b:s3+s21], $0x40, s20, s21, $0xb8;
	[tilespmem:$0xE800] =	vst v63  }
0x69: {  	_ =	swait.ge [sflag:s15], $0x3200  }
0x6a: {  	[sflag:s15] =	ssyncset.done $0x0  }
0x6b: {  	s20 =	simm.s32 $0x0;
	[sflag:s15] =	ssyncadd.s32 $0xFFFFCE00  }
0x6c: {  	v0 =	vld [tilespmem:s20+$0x97C0]  }
0x6d: {  	v1 =	vld [tilespmem:s20+$0x97D0]  }
0x6e: {  	v2 =	vld [tilespmem:s20+$0x9780]  }
0x6f: {  	v3 =	vld [tilespmem:s20+$0x9790]  }
0x70: {  	v4 =	vld [tilespmem:s20+$0x9740]  }
0x71: {  	v5 =	vld [tilespmem:s20+$0x9750]  }
0x72: {  	v6 =	vld [tilespmem:s20+$0x9700]  }
0x73: {  	v7 =	vld [tilespmem:s20+$0x9710]  }
0x74: {  	v9 =	vld [tilespmem:s20+$0x96C0]  }
0x75: {  	v8 =	vld [tilespmem:s20+$0x96D0]  }
0x76: {  	v11 =	vld [tilespmem:s20+$0x9680]  }
0x77: {  	v10 =	vld [tilespmem:s20+$0x9690]  }
0x78: {  	v17 =	vld [tilespmem:s20+$0x9640]  }
0x79: {  	v16 =	vld [tilespmem:s20+$0x9650]  }
0x7a: {  	v19 =	vld [tilespmem:s20+$0x9600]  }
0x7b: {  	v14 =	vimm.f32 $0.0e+00;
	v20 =	vld [tilespmem:s20+$0x9610]  }
0x7c: {  	v15 =	vimm.f32 $0.0e+00;
	v13 =	vimm.f32 $0.0e+00;
	v12 =	vimm.f32 $0.0e+00;
	s21 =	simm.s32 $0x800;
	v18 =	vld [tilespmem:s20+$0x9620]  }
.LBB2_5:
0x7d: {  	p0 =	sne.s32 s21, $0xC000;
	v21 =	vld [tilespmem:s20+$0x9630]  }
0x7e: {  	v22 =	vld [tilespmem:s20+$0x9660]  }
0x7f: {  	v23 =	vld [tilespmem:s20+$0x9670]  }
0x80: {  	v24 =	vld [tilespmem:s20+$0x96A0]  }
0x81: {  	v12 =	vadd.f32 v19, v12;
	v15 =	vadd.f32 v20, v15;
	v19 =	vld [tilespmem:s20+$0x96B0]  }
0x82: {  	v14 =	vadd.f32 v18, v14;
	v13 =	vadd.f32 v21, v13;
	v18 =	vld [tilespmem:s20+$0x96E0]  }
0x83: {  	v12 =	vadd.f32 v17, v12;
	v15 =	vadd.f32 v16, v15;
	v16 =	vld [tilespmem:s20+$0x96F0]  }
0x84: {  	v14 =	vadd.f32 v22, v14;
	v13 =	vadd.f32 v23, v13;
	v17 =	vld [tilespmem:s20+$0x9720]  }
0x85: {  	v11 =	vadd.f32 v11, v12;
	v10 =	vadd.f32 v10, v15;
	v12 =	vld [tilespmem:s20+$0x9730]  }
0x86: {  	v14 =	vadd.f32 v24, v14;
	v13 =	vadd.f32 v19, v13;
	v15 =	vld [tilespmem:s20+$0x9760]  }
0x87: {  	v9 =	vadd.f32 v9, v11;
	v8 =	vadd.f32 v8, v10;
	v10 =	vld [tilespmem:s20+$0x9770]  }
0x88: {  	v11 =	vadd.f32 v18, v14;
	v13 =	vadd.f32 v16, v13;
	v14 =	vld [tilespmem:s20+$0x97A0]  }
0x89: {  	v6 =	vadd.f32 v6, v9;
	v7 =	vadd.f32 v7, v8;
	v8 =	vld [tilespmem:s20+$0x97B0]  }
0x8a: {  	v9 =	vadd.f32 v17, v11;
	v11 =	vadd.f32 v12, v13;
	v13 =	vld [tilespmem:s20+$0x97E0]  }
0x8b: {  	v4 =	vadd.f32 v4, v6;
	v5 =	vadd.f32 v5, v7;
	v6 =	vld [tilespmem:s20+$0x97F0];
	s20 =	sshra.s32 s21, $0x2  }
0x8c: {  	v9 =	vadd.f32 v15, v9;
	v7 =	vld [tilespmem:s20+$0x97C0];
	v10 =	vadd.f32 v10, v11  }
0x8d: {  	v4 =	vadd.f32 v2, v4;
	v5 =	vadd.f32 v3, v5;
	v11 =	vld [tilespmem:s20+$0x97D0]  }
0x8e: {  	v9 =	vadd.f32 v14, v9;
	v2 =	vld [tilespmem:s20+$0x9780];
	v8 =	vadd.f32 v8, v10  }
0x8f: {  	v12 =	vadd.f32 v0, v4;
	v15 =	vadd.f32 v1, v5;
	v3 =	vld [tilespmem:s20+$0x9790]  }
0x90: {  	v14 =	vadd.f32 v13, v9;
	v4 =	vld [tilespmem:s20+$0x9740];
	v13 =	vadd.f32 v6, v8  }
0x91: {  	v5 =	vld [tilespmem:s20+$0x9750];
	v0 =	vmov v7  }
0x92: {  	v6 =	vld [tilespmem:s20+$0x9700];
	v1 =	vmov v11  }
0x93: {  	v7 =	vld [tilespmem:s20+$0x9710]  }
0x94: {  	v9 =	vld [tilespmem:s20+$0x96C0]  }
0x95: {  	v8 =	vld [tilespmem:s20+$0x96D0]  }
0x96: {  	v11 =	vld [tilespmem:s20+$0x9680]  }
0x97: {  	v10 =	vld [tilespmem:s20+$0x9690]  }
.Ltmp1:
0x98: {  	v17 =	vld [tilespmem:s20+$0x9640];
	(pc) =	sbr.rel @p0 .LBB2_5-.Ltmp1, $4  }
0x99: {  	v16 =	vld [tilespmem:s20+$0x9650]  }
0x9a: {  	v19 =	vld [tilespmem:s20+$0x9600]  }
0x9b: {  	v20 =	vld [tilespmem:s20+$0x9610]  }
0x9c: {  	s21 =	sadd.s32 $0x800, s21;
	v18 =	vld [tilespmem:s20+$0x9620]  }
0x9d: {  	v21 =	vld [tilespmem:s20+$0x9630]  }
0x9e: {  	v22 =	vld [tilespmem:s20+$0x9660]  }
0x9f: {  	v23 =	vld [tilespmem:s20+$0x9670];
	v12 =	vadd.f32 v19, v12  }
0xa0: {  	v42 =	vld [tilespmem:s20+$0x96A0];
	v15 =	vadd.f32 v20, v15  }
0xa1: {  	v43 =	vld [tilespmem:s20+$0x96B0];
	v14 =	vadd.f32 v18, v14;
	v12 =	vadd.f32 v17, v12  }
0xa2: {  	v44 =	vld [tilespmem:s20+$0x96E0];
	v13 =	vadd.f32 v21, v13;
	v15 =	vadd.f32 v16, v15  }
0xa3: {  	v45 =	vld [tilespmem:s20+$0x96F0];
	v14 =	vadd.f32 v22, v14;
	v11 =	vadd.f32 v11, v12  }
0xa4: {  	v47 =	vld [tilespmem:s20+$0x9720];
	v46 =	vadd.f32 v23, v13;
	v10 =	vadd.f32 v10, v15  }
0xa5: {  	v48 =	vld [tilespmem:s20+$0x9730];
	v14 =	vadd.f32 v42, v14;
	v9 =	vadd.f32 v9, v11  }
0xa6: {  	v50 =	vld [tilespmem:s20+$0x9760];
	v49 =	vadd.f32 v43, v46;
	v8 =	vadd.f32 v8, v10  }
0xa7: {  	v51 =	vld [tilespmem:s20+$0x9770];
	v14 =	vadd.f32 v44, v14;
	v6 =	vadd.f32 v6, v9  }
0xa8: {  	v53 =	vld [tilespmem:s20+$0x97A0];
	v52 =	vadd.f32 v45, v49;
	v7 =	vadd.f32 v7, v8  }
0xa9: {  	v54 =	vld [tilespmem:s20+$0x97B0];
	v13 =	vadd.f32 v47, v14;
	v4 =	vadd.f32 v4, v6  }
0xaa: {  	v56 =	vld [tilespmem:s20+$0x97E0];
	v55 =	vadd.f32 v48, v52;
	v5 =	vadd.f32 v5, v7  }
0xab: {  	v57 =	vld [tilespmem:s20+$0x97F0];
	v12 =	vadd.f32 v50, v13;
	v2 =	vadd.f32 v2, v4  }
0xac: {  	v58 =	vadd.f32 v51, v55;
	v3 =	vadd.f32 v3, v5  }
0xad: {  	v59 =	vadd.f32 v53, v12;
	v0 =	vadd.f32 v0, v2  }
0xae: {  	s18 =	sadd.s32 $0x1, s18;
	v60 =	vadd.f32 v54, v58;
	v1 =	vadd.f32 v1, v3  }
0xaf: {  	s19 =	sshll.u32 s19, $0x6;
	p0 =	sne.s32 s18, $0x40;
	v61 =	vadd.f32 v56, v59;
	v0 =	vmul.f32 $4.999999890e-03, v0  }
.Ltmp2:
0xb0: {  	s19 =	sand.u32 $0x3FFFFFC0, s19;
	v2 =	vadd.f32 v57, v60;
	v1 =	vmul.f32 $4.999999890e-03, v1;
	(pc) =	sbr.rel @p0 .LBB2_2-.Ltmp2, $4  }
0xb1: {  	[tilespmem:s19+$0xC800] =	vst v0;
	v62 =	vmul.f32 $4.999999890e-03, v61  }
0xb2: {  	[tilespmem:s19+$0xC810] =	vst v1;
	v63 =	vmul.f32 $4.999999890e-03, v2  }
0xb3: {  	[tilespmem:s19+$0xC820] =	vst v62  }
0xb4: {  	[tilespmem:s19+$0xC830] =	vst v63  }
0xb5: {  	s17 =	sadd.s32 $0x1, s17  }
0xb6: {  	p0 =	sne.s32 s17, s6  }
.Ltmp3:
0xb7: {  	_ = 	snop;
	(pc) =	sbr.rel @p0 .LBB2_1-.Ltmp3, $4  }
0xb8: {  	[hbm4b:s5+s2] =	stream.linear.scatter [tilespmem:s16], [sflag:$0x3], $0x2000, $0x38;
	[tilespmem:$0xE800] =	vst v63  }
0xb9: {  	_ =	swait.ge [sflag:s7], $0x2000  }
0xba: {  	[sflag:s7] =	ssyncset.done $0x0  }
0xbb: {  	[sflag:s7] =	ssyncadd.s32 $0xFFFFE000  }
0xbc: {  	_ =	sfence.sel $0x180000  }
0xbd: {  	[bflag:$0x0] =	sbarrier.arrive $0xFFFF  }
0xbe: {  	p0 =	sne.s32 s0, $0x0;
	_ =	strace $0x90000047  }
0xbf: {  	s0 =	sadd.s32 @!p0 $0x100000, s1;
	[bflag:$0x2] =	sbarrier.arrive $0xFFFF  }
0xc0: {  	[sflag:s0] =	ssyncadd.tile.s32 @!p0 $0x1;
	_ =	shalt  }
.Lfunc_end2:
_tile_overlayer_lowered:
.L_overlay_start_2:
0xc1: {  	(tag) =	ssettag $0x2  }
0xc2: {  	s0 =	rddreg [dreg:$0x0];
	s2 =	stileid.u32  }
0xc3: {  	s1 =	rddreg [dreg:$0x1];
	p0 =	sne.s32 s2, $0x0  }
0xc4: {  	s3 =	rddreg [dreg:$0x2];
	[bflag:$0x3] =	sbarrier.arrive $0xFFFF;
	s2 =	simm.s32 @!p0 $0x1C03  }
0xc5: {  	[timem:s3], [sflag:s2] =	dma.local @!p0 [hbm:s0], s1  }
0xc6: {  	s0 =	simm.s32 @!p0 $0x3  }
0xc7: {  	_ =	swait.ge @!p0 [sflag:s0], s1  }
0xc8: {  	s1 =	ssub.s32 @!p0 $0x0, s1;
	[sflag:s0] =	ssyncset.done @!p0 $0x0  }
0xc9: {  	[sflag:s0] =	ssyncadd.s32 @!p0 s1  }
0xca: {  	[bflag:$0x3] =	sbarrier.arrive $0xFFFF  }
0xcb: {  	_ =	shalt  }

</sc_bundles>
